<compile_context>
chip_gen: v7x
topology: tpu7x:2x2x1
jax: 0.10.2.dev20260603
libtpu: 0.0.44.dev20260713+nightly
codegen_flags: <defaults>
</compile_context>

<pallas_src>
import functools

import jax
import jax.numpy as jnp
from jax import lax
from jax.experimental import pallas as pl
from jax.experimental.pallas import tpu as pltpu
from jax.experimental.pallas import tpu_sc as plsc

_BUCKETS = 14
_SIDE = 7
_SCALE = 1.7
_BP = 800
_GP = _BP // 16
_NC = 2
_NS = 16
_NW = _NC * _NS


@functools.lru_cache(maxsize=None)
def _build(P):
    assert P % _BP == 0
    NB = P // _BP
    mesh = plsc.VectorSubcoreMesh(core_axis_name="c", subcore_axis_name="s")

    @functools.partial(
        pl.kernel,
        mesh=mesh,
        compiler_params=pltpu.CompilerParams(needs_layout_passes=False),
        out_type=[
            jax.ShapeDtypeStruct((P * 4,), jnp.float32),
            jax.ShapeDtypeStruct((P,), jnp.float32),
        ],
        scratch_types=[
            pltpu.VMEM((_BP * 28,), jnp.float32),
            pltpu.VMEM((_BP * 28,), jnp.float32),
            pltpu.VMEM((_BP * 4,), jnp.float32),
            pltpu.VMEM((_BP * 4,), jnp.float32),
            pltpu.VMEM((_BP,), jnp.float32),
        ],
    )
    def run(cls_hbm, off_hbm, prop_hbm, bbox_hbm, conf_hbm,
            cls_vm, off_vm, prop_vm, bbox_vm, conf_vm):
        wid = lax.axis_index("s") * _NC + lax.axis_index("c")
        nb = NB // _NW + jnp.where(wid < NB % _NW, 1, 0)
        iota = lax.iota(jnp.int32, 16)

        def group_body(g, carry):
            b16 = g * 16

            def side(s):
                c = [cls_vm[pl.ds((s * 7 + k) * _BP + b16, 16)]
                     for k in range(7)]
                v1 = c[0]
                i1 = jnp.zeros((16,), jnp.float32)
                v2 = jnp.full((16,), -jnp.inf, jnp.float32)
                i2 = jnp.zeros((16,), jnp.float32)
                for k in range(1, 7):
                    kf = jnp.float32(k)
                    gt1 = c[k] > v1
                    gt2 = c[k] > v2
                    nv2 = jnp.where(gt2, c[k], v2)
                    v2 = jnp.where(gt1, v1, nv2)
                    ni2 = jnp.where(gt2, kf, i2)
                    i2 = jnp.where(gt1, i1, ni2)
                    v1 = jnp.where(gt1, c[k], v1)
                    i1 = jnp.where(gt1, kf, i1)
                z = jnp.exp(c[0] - v1)
                for k in range(1, 7):
                    z = z + jnp.exp(c[k] - v1)
                p1 = 1.0 / z
                p2 = jnp.exp(v2 - v1) * p1
                conf_s = p1 + p2 * (jnp.abs(i1 - i2) - 1.0)
                o = plsc.load_gather(
                    off_vm,
                    [iota + b16 + (s * 7) * _BP
                     + i1.astype(jnp.int32) * _BP])
                return i1, o, conf_s

            il, ol, cl = side(0)
            ir, orr, cr = side(1)
            it, ot, ct = side(2)
            idd, od, cd = side(3)

            x1 = prop_vm[pl.ds(0 * _BP + b16, 16)]
            y1 = prop_vm[pl.ds(1 * _BP + b16, 16)]
            x2 = prop_vm[pl.ds(2 * _BP + b16, 16)]
            y2 = prop_vm[pl.ds(3 * _BP + b16, 16)]
            cx = (x1 + x2) * 0.5
            cy = (y1 + y2) * 0.5
            w = (x2 - x1) * _SCALE
            h = (y2 - y1) * _SCALE
            px1 = cx - 0.5 * w
            px2 = cx + 0.5 * w
            py1 = cy - 0.5 * h
            py2 = cy + 0.5 * h
            bw = (px2 - px1) * (1.0 / _BUCKETS)
            bh = (py2 - py1) * (1.0 / _BUCKETS)
            x1o = px1 + (0.5 + il) * bw - ol * bw
            x2o = px2 - (0.5 + ir) * bw - orr * bw
            y1o = py1 + (0.5 + it) * bh - ot * bh
            y2o = py2 - (0.5 + idd) * bh - od * bh
            conf = (cl + cr + ct + cd) * 0.25
            bbox_vm[pl.ds(0 * _BP + b16, 16)] = x1o
            bbox_vm[pl.ds(1 * _BP + b16, 16)] = y1o
            bbox_vm[pl.ds(2 * _BP + b16, 16)] = x2o
            bbox_vm[pl.ds(3 * _BP + b16, 16)] = y2o
            conf_vm[pl.ds(b16, 16)] = conf
            return carry

        def block_body(j, carry):
            k = wid + j * _NW
            pltpu.sync_copy(cls_hbm.at[pl.ds(k * (_BP * 28), _BP * 28)], cls_vm)
            pltpu.sync_copy(off_hbm.at[pl.ds(k * (_BP * 28), _BP * 28)], off_vm)
            pltpu.sync_copy(prop_hbm.at[pl.ds(k * (_BP * 4), _BP * 4)], prop_vm)
            lax.fori_loop(0, _GP, group_body, 0)
            pltpu.sync_copy(bbox_vm, bbox_hbm.at[pl.ds(k * (_BP * 4), _BP * 4)])
            pltpu.sync_copy(conf_vm, conf_hbm.at[pl.ds(k * _BP, _BP)])
            return carry

        lax.fori_loop(0, nb, block_body, 0)

    return run


@jax.jit
def kernel(proposals, cls_preds, offset_preds):
    B, N, _ = proposals.shape
    P = B * N
    NB = P // _BP
    run = _build(P)
    cls_t = (cls_preds.reshape(NB, _BP, 28)
             .transpose(0, 2, 1).reshape(P * 28))
    off_t = (offset_preds.reshape(NB, _BP, 28)
             .transpose(0, 2, 1).reshape(P * 28))
    prop_t = (proposals.reshape(NB, _BP, 4)
              .transpose(0, 2, 1).reshape(P * 4))
    bbox_t, conf_flat = run(cls_t, off_t, prop_t)
    bbox = (bbox_t.reshape(NB, 4, _BP)
            .transpose(0, 2, 1).reshape(B, N, 4))
    return bbox, conf_flat.reshape(B, N)

# --- scband reference (transcript-rebuilt; emitter-appended) ---
"""Pipeline reference for scband-bucketing-bbox-coder-wraper-1202590843769 (READ-ONLY COPY).

The authoritative reference and input builder live on the scoring server;
editing this copy changes nothing except your own understanding.
"""

import jax, jax.numpy as jnp
import numpy as np

NUM_BUCKETS = 14
SCALE_FACTOR = 1.7


def bbox_rescale(b, sf):
    cx = (b[..., 0] + b[..., 2]) * 0.5
    cy = (b[..., 1] + b[..., 3]) * 0.5
    w = (b[..., 2] - b[..., 0]) * sf
    h = (b[..., 3] - b[..., 1]) * sf
    return jnp.stack([cx - 0.5 * w, cy - 0.5 * h, cx + 0.5 * w, cy + 0.5 * h], axis=-1)


def setup_inputs(seed: int = 0) -> dict:
    key = jax.random.key(seed)
    k1, k2, k3 = jax.random.split(key, 3)
    B, N = 8, 20000
    side = int(np.ceil(NUM_BUCKETS / 2.0))
    x1 = jax.random.uniform(jax.random.fold_in(k1, 0), (B, N, 1)) * 800.0
    y1 = jax.random.uniform(jax.random.fold_in(k1, 1), (B, N, 1)) * 800.0
    w = jax.random.uniform(jax.random.fold_in(k1, 2), (B, N, 1)) * 200.0 + 8.0
    h = jax.random.uniform(jax.random.fold_in(k1, 3), (B, N, 1)) * 200.0 + 8.0
    proposals = jnp.concatenate([x1, y1, x1 + w, y1 + h], axis=-1)
    cls_preds = jax.random.normal(k2, (B, N * 4 * side), dtype=jnp.float32)
    offset_preds = jax.random.normal(k3, (B, N * 4 * side), dtype=jnp.float32)
    return {"proposals": proposals, "cls_preds": cls_preds, "offset_preds": offset_preds}


def reference(proposals, cls_preds, offset_preds):
    num_buckets = NUM_BUCKETS
    side = int(np.ceil(num_buckets / 2.0))
    B = cls_preds.shape[0]
    cls = cls_preds.reshape(B, -1, side)
    off = offset_preds.reshape(B, -1, side)
    scores = jax.nn.softmax(cls, axis=2)
    score_topk, score_label = jax.lax.top_k(scores, 2)
    rp = bbox_rescale(proposals, SCALE_FACTOR)
    pw = rp[..., 2] - rp[..., 0]
    ph = rp[..., 3] - rp[..., 1]
    px1 = rp[..., 0]
    py1 = rp[..., 1]
    px2 = rp[..., 2]
    py2 = rp[..., 3]
    bucket_w = pw / num_buckets
    bucket_h = ph / num_buckets
    inds_l = score_label[:, 0::4, 0]
    inds_r = score_label[:, 1::4, 0]
    inds_t = score_label[:, 2::4, 0]
    inds_d = score_label[:, 3::4, 0]
    l_buckets = px1 + (0.5 + inds_l.astype(jnp.float32)) * bucket_w
    r_buckets = px2 - (0.5 + inds_r.astype(jnp.float32)) * bucket_w
    t_buckets = py1 + (0.5 + inds_t.astype(jnp.float32)) * bucket_h
    d_buckets = py2 - (0.5 + inds_d.astype(jnp.float32)) * bucket_h
    offsets = off.reshape(B, -1, 4, side)
    l_off = jnp.take_along_axis(offsets[:, :, 0, :], inds_l[:, :, None], axis=2)[:, :, 0]
    r_off = jnp.take_along_axis(offsets[:, :, 1, :], inds_r[:, :, None], axis=2)[:, :, 0]
    t_off = jnp.take_along_axis(offsets[:, :, 2, :], inds_t[:, :, None], axis=2)[:, :, 0]
    d_off = jnp.take_along_axis(offsets[:, :, 3, :], inds_d[:, :, None], axis=2)[:, :, 0]
    x1 = l_buckets - l_off * bucket_w
    x2 = r_buckets - r_off * bucket_w
    y1 = t_buckets - t_off * bucket_h
    y2 = d_buckets - d_off * bucket_h
    bboxes = jnp.concatenate([x1[:, :, None], y1[:, :, None], x2[:, :, None], y2[:, :, None]], axis=-1)
    loc_conf = score_topk[:, :, 0]
    top2_neighbor = jnp.abs((score_label[:, :, 0] - score_label[:, :, 1]).astype(jnp.float32)) - 1.0
    loc_conf = loc_conf + score_topk[:, :, 1] * top2_neighbor
    loc_conf = loc_conf.reshape(B, -1, 4).mean(axis=2)
    return (bboxes, loc_conf)

if __name__ == "__main__":
    import jax
    _d = setup_inputs()
    print(jax.jit(kernel)(*tuple(_d.values())))

</pallas_src>

<mosaic_0001>
#map = affine_map<(d0, d1) -> (0)>
module attributes {stable_mosaic.version = 14 : i64} {
  func.func @run(%arg0: i32, %arg1: i32, %arg2: memref<4480000xf32, #tpu.memory_space<hbm>>, %arg3: memref<4480000xf32, #tpu.memory_space<hbm>>, %arg4: memref<640000xf32, #tpu.memory_space<hbm>>, %arg5: memref<640000xf32, #tpu.memory_space<hbm>>, %arg6: memref<160000xf32, #tpu.memory_space<hbm>>, %arg7: memref<22400xf32, #tpu.memory_space<vmem>>, %arg8: memref<22400xf32, #tpu.memory_space<vmem>>, %arg9: memref<3200xf32, #tpu.memory_space<vmem>>, %arg10: memref<3200xf32, #tpu.memory_space<vmem>>, %arg11: memref<800xf32, #tpu.memory_space<vmem>>) attributes {dimension_semantics = [#tpu.dimension_semantics<core_parallel>, #tpu.dimension_semantics<subcore_parallel>], iteration_bounds = array<i64: 2, 16>, scalar_prefetch = 0 : i64, scratch_operands = 5 : i64, tpu.core_type = #tpu.core_type<sc_vector_subcore>, window_params = [{transform_indices = #map}, {transform_indices = #map}, {transform_indices = #map}, {transform_indices = #map}, {transform_indices = #map}]} {
    %mul3A = arith.constant 2 : i32
    %mul3A_0 = arith.muli %arg1, %mul3A : i32
    %add3A = arith.addi %mul3A_0, %arg0 : i32
    %lt3A = arith.constant 8 : i32
    %lt3A_1 = arith.cmpi slt, %add3A, %lt3A : i32
    %jit3A = arith.constant 1 : i32
    %jit3A_2 = arith.constant 0 : i32
    %select_n3A = arith.select %lt3A_1, %jit3A, %jit3A_2 : i32
    %add3A_3 = arith.constant 6 : i32
    %add3A_4 = arith.addi %add3A_3, %select_n3A : i32
    %iota3A = tpu.iota {dimensions = array<i32: 0>} : vector<16xi32>
    %while3A = arith.constant 0 : i32
    %while3A_5 = arith.constant 0 : i32
    %while3A_6 = arith.subi %add3A_4, %while3A_5 : i32
    %while3A_7 = arith.addi %while3A_5, %while3A_6 : i32
    %while3A_8 = arith.constant 1 : i32
    %while3A_9 = arith.divsi %while3A_6, %while3A_8 : i32
    %while3A_10 = arith.muli %while3A_9, %while3A_8 : i32
    %while3A_11 = arith.addi %while3A_5, %while3A_10 : i32
    %while3A_12 = arith.constant 1 : i32
    scf.for %while3A_14 = %while3A_5 to %while3A_11 step %while3A_12  : i32 {
      %mul3A_15 = arith.constant 32 : i32
      %mul3A_16 = arith.muli %while3A_14, %mul3A_15 : i32
      %add3A_17 = arith.addi %add3A, %mul3A_16 : i32
      %mul3A_18 = arith.constant 22400 : i32
      %mul3A_19 = arith.muli %add3A_17, %mul3A_18 : i32
      "tpu.region"() ({
        %run_scoped3A = tpu.sem_alloc : memref<!tpu.dma_semaphore, #tpu.memory_space<semaphore_mem>>
        %dma_start3A = tpu.memref_slice %arg2[%mul3A_19] : memref<4480000xf32, #tpu.memory_space<hbm>> -> memref<22400xf32, #tpu.memory_space<hbm>>
        %dma_start3A_33 = tpu.memref_slice %arg2[%mul3A_19] : memref<4480000xf32, #tpu.memory_space<hbm>> -> memref<22400xf32, #tpu.memory_space<hbm>>
        tpu.enqueue_dma source(%dma_start3A_33 : memref<22400xf32, #tpu.memory_space<hbm>>) target(%arg7 : memref<22400xf32, #tpu.memory_space<vmem>>) target_semaphore(%run_scoped3A : memref<!tpu.dma_semaphore, #tpu.memory_space<semaphore_mem>>)
        %dma_wait3A = tpu.memref_slice %arg2[%mul3A_19] : memref<4480000xf32, #tpu.memory_space<hbm>> -> memref<22400xf32, #tpu.memory_space<hbm>>
        %dma_wait3A_34 = tpu.memref_slice %arg2[%mul3A_19] : memref<4480000xf32, #tpu.memory_space<hbm>> -> memref<22400xf32, #tpu.memory_space<hbm>>
        tpu.wait_dma2 semaphore(%run_scoped3A : memref<!tpu.dma_semaphore, #tpu.memory_space<semaphore_mem>>) src(%dma_wait3A_34 : memref<22400xf32, #tpu.memory_space<hbm>>) dst(%arg7 : memref<22400xf32, #tpu.memory_space<vmem>>)
        tpu.yield
      }) : () -> ()
      %mul3A_20 = arith.constant 22400 : i32
      %mul3A_21 = arith.muli %add3A_17, %mul3A_20 : i32
      "tpu.region"() ({
        %run_scoped3A = tpu.sem_alloc : memref<!tpu.dma_semaphore, #tpu.memory_space<semaphore_mem>>
        %dma_start3A = tpu.memref_slice %arg3[%mul3A_21] : memref<4480000xf32, #tpu.memory_space<hbm>> -> memref<22400xf32, #tpu.memory_space<hbm>>
        %dma_start3A_33 = tpu.memref_slice %arg3[%mul3A_21] : memref<4480000xf32, #tpu.memory_space<hbm>> -> memref<22400xf32, #tpu.memory_space<hbm>>
        tpu.enqueue_dma source(%dma_start3A_33 : memref<22400xf32, #tpu.memory_space<hbm>>) target(%arg8 : memref<22400xf32, #tpu.memory_space<vmem>>) target_semaphore(%run_scoped3A : memref<!tpu.dma_semaphore, #tpu.memory_space<semaphore_mem>>)
        %dma_wait3A = tpu.memref_slice %arg3[%mul3A_21] : memref<4480000xf32, #tpu.memory_space<hbm>> -> memref<22400xf32, #tpu.memory_space<hbm>>
        %dma_wait3A_34 = tpu.memref_slice %arg3[%mul3A_21] : memref<4480000xf32, #tpu.memory_space<hbm>> -> memref<22400xf32, #tpu.memory_space<hbm>>
        tpu.wait_dma2 semaphore(%run_scoped3A : memref<!tpu.dma_semaphore, #tpu.memory_space<semaphore_mem>>) src(%dma_wait3A_34 : memref<22400xf32, #tpu.memory_space<hbm>>) dst(%arg8 : memref<22400xf32, #tpu.memory_space<vmem>>)
        tpu.yield
      }) : () -> ()
      %mul3A_22 = arith.constant 3200 : i32
      %mul3A_23 = arith.muli %add3A_17, %mul3A_22 : i32
      "tpu.region"() ({
        %run_scoped3A = tpu.sem_alloc : memref<!tpu.dma_semaphore, #tpu.memory_space<semaphore_mem>>
        %dma_start3A = tpu.memref_slice %arg4[%mul3A_23] : memref<640000xf32, #tpu.memory_space<hbm>> -> memref<3200xf32, #tpu.memory_space<hbm>>
        %dma_start3A_33 = tpu.memref_slice %arg4[%mul3A_23] : memref<640000xf32, #tpu.memory_space<hbm>> -> memref<3200xf32, #tpu.memory_space<hbm>>
        tpu.enqueue_dma source(%dma_start3A_33 : memref<3200xf32, #tpu.memory_space<hbm>>) target(%arg9 : memref<3200xf32, #tpu.memory_space<vmem>>) target_semaphore(%run_scoped3A : memref<!tpu.dma_semaphore, #tpu.memory_space<semaphore_mem>>)
        %dma_wait3A = tpu.memref_slice %arg4[%mul3A_23] : memref<640000xf32, #tpu.memory_space<hbm>> -> memref<3200xf32, #tpu.memory_space<hbm>>
        %dma_wait3A_34 = tpu.memref_slice %arg4[%mul3A_23] : memref<640000xf32, #tpu.memory_space<hbm>> -> memref<3200xf32, #tpu.memory_space<hbm>>
        tpu.wait_dma2 semaphore(%run_scoped3A : memref<!tpu.dma_semaphore, #tpu.memory_space<semaphore_mem>>) src(%dma_wait3A_34 : memref<3200xf32, #tpu.memory_space<hbm>>) dst(%arg9 : memref<3200xf32, #tpu.memory_space<vmem>>)
        tpu.yield
      }) : () -> ()
      %scan3A = arith.constant 0 : i32
      %scan3A_24 = arith.constant 0 : i32
      %scan3A_25 = arith.constant 50 : i32
      %scan3A_26 = arith.addi %scan3A_24, %scan3A_25 : i32
      %scan3A_27 = arith.constant 1 : i32
      scf.for %scan3A_33 = %scan3A_24 to %scan3A_26 step %scan3A_27  : i32 {
        %mul3A_34 = arith.constant 16 : i32
        %mul3A_35 = arith.muli %scan3A_33, %mul3A_34 : i32
        %add3A_36 = arith.constant 0 : i32
        %add3A_37 = arith.addi %add3A_36, %mul3A_35 : i32
        %get3A = arith.index_cast %add3A_37 : i32 to index
        %get3A_38 = tpu.vector_load %arg7[%get3A] {strides = array<i32>} : memref<22400xf32, #tpu.memory_space<vmem>>, vector<16xf32>,
        %add3A_39 = arith.constant 800 : i32
        %add3A_40 = arith.addi %add3A_39, %mul3A_35 : i32
        %get3A_41 = arith.index_cast %add3A_40 : i32 to index
        %get3A_42 = tpu.vector_load %arg7[%get3A_41] {strides = array<i32>} : memref<22400xf32, #tpu.memory_space<vmem>>, vector<16xf32>,
        %add3A_43 = arith.constant 1600 : i32
        %add3A_44 = arith.addi %add3A_43, %mul3A_35 : i32
        %get3A_45 = arith.index_cast %add3A_44 : i32 to index
        %get3A_46 = tpu.vector_load %arg7[%get3A_45] {strides = array<i32>} : memref<22400xf32, #tpu.memory_space<vmem>>, vector<16xf32>,
        %add3A_47 = arith.constant 2400 : i32
        %add3A_48 = arith.addi %add3A_47, %mul3A_35 : i32
        %get3A_49 = arith.index_cast %add3A_48 : i32 to index
        %get3A_50 = tpu.vector_load %arg7[%get3A_49] {strides = array<i32>} : memref<22400xf32, #tpu.memory_space<vmem>>, vector<16xf32>,
        %add3A_51 = arith.constant 3200 : i32
        %add3A_52 = arith.addi %add3A_51, %mul3A_35 : i32
        %get3A_53 = arith.index_cast %add3A_52 : i32 to index
        %get3A_54 = tpu.vector_load %arg7[%get3A_53] {strides = array<i32>} : memref<22400xf32, #tpu.memory_space<vmem>>, vector<16xf32>,
        %add3A_55 = arith.constant 4000 : i32
        %add3A_56 = arith.addi %add3A_55, %mul3A_35 : i32
        %get3A_57 = arith.index_cast %add3A_56 : i32 to index
        %get3A_58 = tpu.vector_load %arg7[%get3A_57] {strides = array<i32>} : memref<22400xf32, #tpu.memory_space<vmem>>, vector<16xf32>,
        %add3A_59 = arith.constant 4800 : i32
        %add3A_60 = arith.addi %add3A_59, %mul3A_35 : i32
        %get3A_61 = arith.index_cast %add3A_60 : i32 to index
        %get3A_62 = tpu.vector_load %arg7[%get3A_61] {strides = array<i32>} : memref<22400xf32, #tpu.memory_space<vmem>>, vector<16xf32>,
        %broadcast_in_dim3A = arith.constant 0.000000e+00 : f32
        %broadcast_in_dim3A_63 = vector.broadcast %broadcast_in_dim3A : f32 to vector<16xf32>
        %broadcast_in_dim3A_64 = arith.constant 0xFF800000 : f32
        %broadcast_in_dim3A_65 = vector.broadcast %broadcast_in_dim3A_64 : f32 to vector<16xf32>
        %broadcast_in_dim3A_66 = arith.constant 0.000000e+00 : f32
        %broadcast_in_dim3A_67 = vector.broadcast %broadcast_in_dim3A_66 : f32 to vector<16xf32>
        %gt3A = arith.cmpf ogt, %get3A_42, %get3A_38 : vector<16xf32>
        %gt3A_68 = arith.cmpf ogt, %get3A_42, %broadcast_in_dim3A_65 : vector<16xf32>
        %select_n3A_69 = arith.select %gt3A_68, %get3A_42, %broadcast_in_dim3A_65 : vector<16xi1>, vector<16xf32>
        %select_n3A_70 = arith.select %gt3A, %get3A_38, %select_n3A_69 : vector<16xi1>, vector<16xf32>
        %jit3A_71 = arith.constant 1.000000e+00 : f32
        %broadcast_in_dim3A_72 = vector.broadcast %jit3A_71 : f32 to vector<16xf32>
        %select_n3A_73 = arith.select %gt3A_68, %broadcast_in_dim3A_72, %broadcast_in_dim3A_67 : vector<16xi1>, vector<16xf32>
        %select_n3A_74 = arith.select %gt3A, %broadcast_in_dim3A_63, %select_n3A_73 : vector<16xi1>, vector<16xf32>
        %select_n3A_75 = arith.select %gt3A, %get3A_42, %get3A_38 : vector<16xi1>, vector<16xf32>
        %jit3A_76 = arith.constant 1.000000e+00 : f32
        %broadcast_in_dim3A_77 = vector.broadcast %jit3A_76 : f32 to vector<16xf32>
        %select_n3A_78 = arith.select %gt3A, %broadcast_in_dim3A_77, %broadcast_in_dim3A_63 : vector<16xi1>, vector<16xf32>
        %gt3A_79 = arith.cmpf ogt, %get3A_46, %select_n3A_75 : vector<16xf32>
        %gt3A_80 = arith.cmpf ogt, %get3A_46, %select_n3A_70 : vector<16xf32>
        %select_n3A_81 = arith.select %gt3A_80, %get3A_46, %select_n3A_70 : vector<16xi1>, vector<16xf32>
        %select_n3A_82 = arith.select %gt3A_79, %select_n3A_75, %select_n3A_81 : vector<16xi1>, vector<16xf32>
        %jit3A_83 = arith.constant 2.000000e+00 : f32
        %broadcast_in_dim3A_84 = vector.broadcast %jit3A_83 : f32 to vector<16xf32>
        %select_n3A_85 = arith.select %gt3A_80, %broadcast_in_dim3A_84, %select_n3A_74 : vector<16xi1>, vector<16xf32>
        %select_n3A_86 = arith.select %gt3A_79, %select_n3A_78, %select_n3A_85 : vector<16xi1>, vector<16xf32>
        %select_n3A_87 = arith.select %gt3A_79, %get3A_46, %select_n3A_75 : vector<16xi1>, vector<16xf32>
        %jit3A_88 = arith.constant 2.000000e+00 : f32
        %broadcast_in_dim3A_89 = vector.broadcast %jit3A_88 : f32 to vector<16xf32>
        %select_n3A_90 = arith.select %gt3A_79, %broadcast_in_dim3A_89, %select_n3A_78 : vector<16xi1>, vector<16xf32>
        %gt3A_91 = arith.cmpf ogt, %get3A_50, %select_n3A_87 : vector<16xf32>
        %gt3A_92 = arith.cmpf ogt, %get3A_50, %select_n3A_82 : vector<16xf32>
        %select_n3A_93 = arith.select %gt3A_92, %get3A_50, %select_n3A_82 : vector<16xi1>, vector<16xf32>
        %select_n3A_94 = arith.select %gt3A_91, %select_n3A_87, %select_n3A_93 : vector<16xi1>, vector<16xf32>
        %jit3A_95 = arith.constant 3.000000e+00 : f32
        %broadcast_in_dim3A_96 = vector.broadcast %jit3A_95 : f32 to vector<16xf32>
        %select_n3A_97 = arith.select %gt3A_92, %broadcast_in_dim3A_96, %select_n3A_86 : vector<16xi1>, vector<16xf32>
        %select_n3A_98 = arith.select %gt3A_91, %select_n3A_90, %select_n3A_97 : vector<16xi1>, vector<16xf32>
        %select_n3A_99 = arith.select %gt3A_91, %get3A_50, %select_n3A_87 : vector<16xi1>, vector<16xf32>
        %jit3A_100 = arith.constant 3.000000e+00 : f32
        %broadcast_in_dim3A_101 = vector.broadcast %jit3A_100 : f32 to vector<16xf32>
        %select_n3A_102 = arith.select %gt3A_91, %broadcast_in_dim3A_101, %select_n3A_90 : vector<16xi1>, vector<16xf32>
        %gt3A_103 = arith.cmpf ogt, %get3A_54, %select_n3A_99 : vector<16xf32>
        %gt3A_104 = arith.cmpf ogt, %get3A_54, %select_n3A_94 : vector<16xf32>
        %select_n3A_105 = arith.select %gt3A_104, %get3A_54, %select_n3A_94 : vector<16xi1>, vector<16xf32>
        %select_n3A_106 = arith.select %gt3A_103, %select_n3A_99, %select_n3A_105 : vector<16xi1>, vector<16xf32>
        %jit3A_107 = arith.constant 4.000000e+00 : f32
        %broadcast_in_dim3A_108 = vector.broadcast %jit3A_107 : f32 to vector<16xf32>
        %select_n3A_109 = arith.select %gt3A_104, %broadcast_in_dim3A_108, %select_n3A_98 : vector<16xi1>, vector<16xf32>
        %select_n3A_110 = arith.select %gt3A_103, %select_n3A_102, %select_n3A_109 : vector<16xi1>, vector<16xf32>
        %select_n3A_111 = arith.select %gt3A_103, %get3A_54, %select_n3A_99 : vector<16xi1>, vector<16xf32>
        %jit3A_112 = arith.constant 4.000000e+00 : f32
        %broadcast_in_dim3A_113 = vector.broadcast %jit3A_112 : f32 to vector<16xf32>
        %select_n3A_114 = arith.select %gt3A_103, %broadcast_in_dim3A_113, %select_n3A_102 : vector<16xi1>, vector<16xf32>
        %gt3A_115 = arith.cmpf ogt, %get3A_58, %select_n3A_111 : vector<16xf32>
        %gt3A_116 = arith.cmpf ogt, %get3A_58, %select_n3A_106 : vector<16xf32>
        %select_n3A_117 = arith.select %gt3A_116, %get3A_58, %select_n3A_106 : vector<16xi1>, vector<16xf32>
        %select_n3A_118 = arith.select %gt3A_115, %select_n3A_111, %select_n3A_117 : vector<16xi1>, vector<16xf32>
        %jit3A_119 = arith.constant 5.000000e+00 : f32
        %broadcast_in_dim3A_120 = vector.broadcast %jit3A_119 : f32 to vector<16xf32>
        %select_n3A_121 = arith.select %gt3A_116, %broadcast_in_dim3A_120, %select_n3A_110 : vector<16xi1>, vector<16xf32>
        %select_n3A_122 = arith.select %gt3A_115, %select_n3A_114, %select_n3A_121 : vector<16xi1>, vector<16xf32>
        %select_n3A_123 = arith.select %gt3A_115, %get3A_58, %select_n3A_111 : vector<16xi1>, vector<16xf32>
        %jit3A_124 = arith.constant 5.000000e+00 : f32
        %broadcast_in_dim3A_125 = vector.broadcast %jit3A_124 : f32 to vector<16xf32>
        %select_n3A_126 = arith.select %gt3A_115, %broadcast_in_dim3A_125, %select_n3A_114 : vector<16xi1>, vector<16xf32>
        %gt3A_127 = arith.cmpf ogt, %get3A_62, %select_n3A_123 : vector<16xf32>
        %gt3A_128 = arith.cmpf ogt, %get3A_62, %select_n3A_118 : vector<16xf32>
        %select_n3A_129 = arith.select %gt3A_128, %get3A_62, %select_n3A_118 : vector<16xi1>, vector<16xf32>
        %select_n3A_130 = arith.select %gt3A_127, %select_n3A_123, %select_n3A_129 : vector<16xi1>, vector<16xf32>
        %jit3A_131 = arith.constant 6.000000e+00 : f32
        %broadcast_in_dim3A_132 = vector.broadcast %jit3A_131 : f32 to vector<16xf32>
        %select_n3A_133 = arith.select %gt3A_128, %broadcast_in_dim3A_132, %select_n3A_122 : vector<16xi1>, vector<16xf32>
        %select_n3A_134 = arith.select %gt3A_127, %select_n3A_126, %select_n3A_133 : vector<16xi1>, vector<16xf32>
        %select_n3A_135 = arith.select %gt3A_127, %get3A_62, %select_n3A_123 : vector<16xi1>, vector<16xf32>
        %jit3A_136 = arith.constant 6.000000e+00 : f32
        %broadcast_in_dim3A_137 = vector.broadcast %jit3A_136 : f32 to vector<16xf32>
        %select_n3A_138 = arith.select %gt3A_127, %broadcast_in_dim3A_137, %select_n3A_126 : vector<16xi1>, vector<16xf32>
        %sub3A = arith.subf %get3A_38, %select_n3A_135 : vector<16xf32>
        %exp3A = math.exp %sub3A : vector<16xf32>
        %sub3A_139 = arith.subf %get3A_42, %select_n3A_135 : vector<16xf32>
        %exp3A_140 = math.exp %sub3A_139 : vector<16xf32>
        %add3A_141 = arith.addf %exp3A, %exp3A_140 : vector<16xf32>
        %sub3A_142 = arith.subf %get3A_46, %select_n3A_135 : vector<16xf32>
        %exp3A_143 = math.exp %sub3A_142 : vector<16xf32>
        %add3A_144 = arith.addf %add3A_141, %exp3A_143 : vector<16xf32>
        %sub3A_145 = arith.subf %get3A_50, %select_n3A_135 : vector<16xf32>
        %exp3A_146 = math.exp %sub3A_145 : vector<16xf32>
        %add3A_147 = arith.addf %add3A_144, %exp3A_146 : vector<16xf32>
        %sub3A_148 = arith.subf %get3A_54, %select_n3A_135 : vector<16xf32>
        %exp3A_149 = math.exp %sub3A_148 : vector<16xf32>
        %add3A_150 = arith.addf %add3A_147, %exp3A_149 : vector<16xf32>
        %sub3A_151 = arith.subf %get3A_58, %select_n3A_135 : vector<16xf32>
        %exp3A_152 = math.exp %sub3A_151 : vector<16xf32>
        %add3A_153 = arith.addf %add3A_150, %exp3A_152 : vector<16xf32>
        %sub3A_154 = arith.subf %get3A_62, %select_n3A_135 : vector<16xf32>
        %exp3A_155 = math.exp %sub3A_154 : vector<16xf32>
        %add3A_156 = arith.addf %add3A_153, %exp3A_155 : vector<16xf32>
        %div3A = arith.constant 1.000000e+00 : f32
        %div3A_157 = vector.broadcast %div3A : f32 to vector<16xf32>
        %div3A_158 = arith.divf %div3A_157, %add3A_156 : vector<16xf32>
        %sub3A_159 = arith.subf %select_n3A_130, %select_n3A_135 : vector<16xf32>
        %exp3A_160 = math.exp %sub3A_159 : vector<16xf32>
        %mul3A_161 = arith.mulf %exp3A_160, %div3A_158 : vector<16xf32>
        %sub3A_162 = arith.subf %select_n3A_138, %select_n3A_134 : vector<16xf32>
        %abs3A = math.absf %sub3A_162 : vector<16xf32>
        %sub3A_163 = arith.constant 1.000000e+00 : f32
        %sub3A_164 = vector.broadcast %sub3A_163 : f32 to vector<16xf32>
        %sub3A_165 = arith.subf %abs3A, %sub3A_164 : vector<16xf32>
        %mul3A_166 = arith.mulf %mul3A_161, %sub3A_165 : vector<16xf32>
        %add3A_167 = arith.addf %div3A_158, %mul3A_166 : vector<16xf32>
        %add3A_168 = vector.broadcast %mul3A_35 : i32 to vector<16xi32>
        %add3A_169 = arith.addi %iota3A, %add3A_168 : vector<16xi32>
        %add3A_170 = arith.constant 0 : i32
        %add3A_171 = vector.broadcast %add3A_170 : i32 to vector<16xi32>
        %add3A_172 = arith.addi %add3A_169, %add3A_171 : vector<16xi32>
        %convert_element_type3A = arith.fptosi %select_n3A_138 : vector<16xf32> to vector<16xi32>
        %mul3A_173 = arith.constant 800 : i32
        %mul3A_174 = vector.broadcast %mul3A_173 : i32 to vector<16xi32>
        %mul3A_175 = arith.muli %convert_element_type3A, %mul3A_174 : vector<16xi32>
        %add3A_176 = arith.addi %add3A_172, %mul3A_175 : vector<16xi32>
        %gather3A = tpu.vector_load_idx %arg8[%add3A_176] : memref<22400xf32, #tpu.memory_space<vmem>>[vector<16xi32>], vector<16xf32>,
        %add3A_177 = arith.constant 5600 : i32
        %add3A_178 = arith.addi %add3A_177, %mul3A_35 : i32
        %get3A_179 = arith.index_cast %add3A_178 : i32 to index
        %get3A_180 = tpu.vector_load %arg7[%get3A_179] {strides = array<i32>} : memref<22400xf32, #tpu.memory_space<vmem>>, vector<16xf32>,
        %add3A_181 = arith.constant 6400 : i32
        %add3A_182 = arith.addi %add3A_181, %mul3A_35 : i32
        %get3A_183 = arith.index_cast %add3A_182 : i32 to index
        %get3A_184 = tpu.vector_load %arg7[%get3A_183] {strides = array<i32>} : memref<22400xf32, #tpu.memory_space<vmem>>, vector<16xf32>,
        %add3A_185 = arith.constant 7200 : i32
        %add3A_186 = arith.addi %add3A_185, %mul3A_35 : i32
        %get3A_187 = arith.index_cast %add3A_186 : i32 to index
        %get3A_188 = tpu.vector_load %arg7[%get3A_187] {strides = array<i32>} : memref<22400xf32, #tpu.memory_space<vmem>>, vector<16xf32>,
        %add3A_189 = arith.constant 8000 : i32
        %add3A_190 = arith.addi %add3A_189, %mul3A_35 : i32
        %get3A_191 = arith.index_cast %add3A_190 : i32 to index
        %get3A_192 = tpu.vector_load %arg7[%get3A_191] {strides = array<i32>} : memref<22400xf32, #tpu.memory_space<vmem>>, vector<16xf32>,
        %add3A_193 = arith.constant 8800 : i32
        %add3A_194 = arith.addi %add3A_193, %mul3A_35 : i32
        %get3A_195 = arith.index_cast %add3A_194 : i32 to index
        %get3A_196 = tpu.vector_load %arg7[%get3A_195] {strides = array<i32>} : memref<22400xf32, #tpu.memory_space<vmem>>, vector<16xf32>,
        %add3A_197 = arith.constant 9600 : i32
        %add3A_198 = arith.addi %add3A_197, %mul3A_35 : i32
        %get3A_199 = arith.index_cast %add3A_198 : i32 to index
        %get3A_200 = tpu.vector_load %arg7[%get3A_199] {strides = array<i32>} : memref<22400xf32, #tpu.memory_space<vmem>>, vector<16xf32>,
        %add3A_201 = arith.constant 10400 : i32
        %add3A_202 = arith.addi %add3A_201, %mul3A_35 : i32
        %get3A_203 = arith.index_cast %add3A_202 : i32 to index
        %get3A_204 = tpu.vector_load %arg7[%get3A_203] {strides = array<i32>} : memref<22400xf32, #tpu.memory_space<vmem>>, vector<16xf32>,
        %broadcast_in_dim3A_205 = arith.constant 0.000000e+00 : f32
        %broadcast_in_dim3A_206 = vector.broadcast %broadcast_in_dim3A_205 : f32 to vector<16xf32>
        %broadcast_in_dim3A_207 = arith.constant 0xFF800000 : f32
        %broadcast_in_dim3A_208 = vector.broadcast %broadcast_in_dim3A_207 : f32 to vector<16xf32>
        %broadcast_in_dim3A_209 = arith.constant 0.000000e+00 : f32
        %broadcast_in_dim3A_210 = vector.broadcast %broadcast_in_dim3A_209 : f32 to vector<16xf32>
        %gt3A_211 = arith.cmpf ogt, %get3A_184, %get3A_180 : vector<16xf32>
        %gt3A_212 = arith.cmpf ogt, %get3A_184, %broadcast_in_dim3A_208 : vector<16xf32>
        %select_n3A_213 = arith.select %gt3A_212, %get3A_184, %broadcast_in_dim3A_208 : vector<16xi1>, vector<16xf32>
        %select_n3A_214 = arith.select %gt3A_211, %get3A_180, %select_n3A_213 : vector<16xi1>, vector<16xf32>
        %jit3A_215 = arith.constant 1.000000e+00 : f32
        %broadcast_in_dim3A_216 = vector.broadcast %jit3A_215 : f32 to vector<16xf32>
        %select_n3A_217 = arith.select %gt3A_212, %broadcast_in_dim3A_216, %broadcast_in_dim3A_210 : vector<16xi1>, vector<16xf32>
        %select_n3A_218 = arith.select %gt3A_211, %broadcast_in_dim3A_206, %select_n3A_217 : vector<16xi1>, vector<16xf32>
        %select_n3A_219 = arith.select %gt3A_211, %get3A_184, %get3A_180 : vector<16xi1>, vector<16xf32>
        %jit3A_220 = arith.constant 1.000000e+00 : f32
        %broadcast_in_dim3A_221 = vector.broadcast %jit3A_220 : f32 to vector<16xf32>
        %select_n3A_222 = arith.select %gt3A_211, %broadcast_in_dim3A_221, %broadcast_in_dim3A_206 : vector<16xi1>, vector<16xf32>
        %gt3A_223 = arith.cmpf ogt, %get3A_188, %select_n3A_219 : vector<16xf32>
        %gt3A_224 = arith.cmpf ogt, %get3A_188, %select_n3A_214 : vector<16xf32>
        %select_n3A_225 = arith.select %gt3A_224, %get3A_188, %select_n3A_214 : vector<16xi1>, vector<16xf32>
        %select_n3A_226 = arith.select %gt3A_223, %select_n3A_219, %select_n3A_225 : vector<16xi1>, vector<16xf32>
        %jit3A_227 = arith.constant 2.000000e+00 : f32
        %broadcast_in_dim3A_228 = vector.broadcast %jit3A_227 : f32 to vector<16xf32>
        %select_n3A_229 = arith.select %gt3A_224, %broadcast_in_dim3A_228, %select_n3A_218 : vector<16xi1>, vector<16xf32>
        %select_n3A_230 = arith.select %gt3A_223, %select_n3A_222, %select_n3A_229 : vector<16xi1>, vector<16xf32>
        %select_n3A_231 = arith.select %gt3A_223, %get3A_188, %select_n3A_219 : vector<16xi1>, vector<16xf32>
        %jit3A_232 = arith.constant 2.000000e+00 : f32
        %broadcast_in_dim3A_233 = vector.broadcast %jit3A_232 : f32 to vector<16xf32>
        %select_n3A_234 = arith.select %gt3A_223, %broadcast_in_dim3A_233, %select_n3A_222 : vector<16xi1>, vector<16xf32>
        %gt3A_235 = arith.cmpf ogt, %get3A_192, %select_n3A_231 : vector<16xf32>
        %gt3A_236 = arith.cmpf ogt, %get3A_192, %select_n3A_226 : vector<16xf32>
        %select_n3A_237 = arith.select %gt3A_236, %get3A_192, %select_n3A_226 : vector<16xi1>, vector<16xf32>
        %select_n3A_238 = arith.select %gt3A_235, %select_n3A_231, %select_n3A_237 : vector<16xi1>, vector<16xf32>
        %jit3A_239 = arith.constant 3.000000e+00 : f32
        %broadcast_in_dim3A_240 = vector.broadcast %jit3A_239 : f32 to vector<16xf32>
        %select_n3A_241 = arith.select %gt3A_236, %broadcast_in_dim3A_240, %select_n3A_230 : vector<16xi1>, vector<16xf32>
        %select_n3A_242 = arith.select %gt3A_235, %select_n3A_234, %select_n3A_241 : vector<16xi1>, vector<16xf32>
        %select_n3A_243 = arith.select %gt3A_235, %get3A_192, %select_n3A_231 : vector<16xi1>, vector<16xf32>
        %jit3A_244 = arith.constant 3.000000e+00 : f32
        %broadcast_in_dim3A_245 = vector.broadcast %jit3A_244 : f32 to vector<16xf32>
        %select_n3A_246 = arith.select %gt3A_235, %broadcast_in_dim3A_245, %select_n3A_234 : vector<16xi1>, vector<16xf32>
        %gt3A_247 = arith.cmpf ogt, %get3A_196, %select_n3A_243 : vector<16xf32>
        %gt3A_248 = arith.cmpf ogt, %get3A_196, %select_n3A_238 : vector<16xf32>
        %select_n3A_249 = arith.select %gt3A_248, %get3A_196, %select_n3A_238 : vector<16xi1>, vector<16xf32>
        %select_n3A_250 = arith.select %gt3A_247, %select_n3A_243, %select_n3A_249 : vector<16xi1>, vector<16xf32>
        %jit3A_251 = arith.constant 4.000000e+00 : f32
        %broadcast_in_dim3A_252 = vector.broadcast %jit3A_251 : f32 to vector<16xf32>
        %select_n3A_253 = arith.select %gt3A_248, %broadcast_in_dim3A_252, %select_n3A_242 : vector<16xi1>, vector<16xf32>
        %select_n3A_254 = arith.select %gt3A_247, %select_n3A_246, %select_n3A_253 : vector<16xi1>, vector<16xf32>
        %select_n3A_255 = arith.select %gt3A_247, %get3A_196, %select_n3A_243 : vector<16xi1>, vector<16xf32>
        %jit3A_256 = arith.constant 4.000000e+00 : f32
        %broadcast_in_dim3A_257 = vector.broadcast %jit3A_256 : f32 to vector<16xf32>
        %select_n3A_258 = arith.select %gt3A_247, %broadcast_in_dim3A_257, %select_n3A_246 : vector<16xi1>, vector<16xf32>
        %gt3A_259 = arith.cmpf ogt, %get3A_200, %select_n3A_255 : vector<16xf32>
        %gt3A_260 = arith.cmpf ogt, %get3A_200, %select_n3A_250 : vector<16xf32>
        %select_n3A_261 = arith.select %gt3A_260, %get3A_200, %select_n3A_250 : vector<16xi1>, vector<16xf32>
        %select_n3A_262 = arith.select %gt3A_259, %select_n3A_255, %select_n3A_261 : vector<16xi1>, vector<16xf32>
        %jit3A_263 = arith.constant 5.000000e+00 : f32
        %broadcast_in_dim3A_264 = vector.broadcast %jit3A_263 : f32 to vector<16xf32>
        %select_n3A_265 = arith.select %gt3A_260, %broadcast_in_dim3A_264, %select_n3A_254 : vector<16xi1>, vector<16xf32>
        %select_n3A_266 = arith.select %gt3A_259, %select_n3A_258, %select_n3A_265 : vector<16xi1>, vector<16xf32>
        %select_n3A_267 = arith.select %gt3A_259, %get3A_200, %select_n3A_255 : vector<16xi1>, vector<16xf32>
        %jit3A_268 = arith.constant 5.000000e+00 : f32
        %broadcast_in_dim3A_269 = vector.broadcast %jit3A_268 : f32 to vector<16xf32>
        %select_n3A_270 = arith.select %gt3A_259, %broadcast_in_dim3A_269, %select_n3A_258 : vector<16xi1>, vector<16xf32>
        %gt3A_271 = arith.cmpf ogt, %get3A_204, %select_n3A_267 : vector<16xf32>
        %gt3A_272 = arith.cmpf ogt, %get3A_204, %select_n3A_262 : vector<16xf32>
        %select_n3A_273 = arith.select %gt3A_272, %get3A_204, %select_n3A_262 : vector<16xi1>, vector<16xf32>
        %select_n3A_274 = arith.select %gt3A_271, %select_n3A_267, %select_n3A_273 : vector<16xi1>, vector<16xf32>
        %jit3A_275 = arith.constant 6.000000e+00 : f32
        %broadcast_in_dim3A_276 = vector.broadcast %jit3A_275 : f32 to vector<16xf32>
        %select_n3A_277 = arith.select %gt3A_272, %broadcast_in_dim3A_276, %select_n3A_266 : vector<16xi1>, vector<16xf32>
        %select_n3A_278 = arith.select %gt3A_271, %select_n3A_270, %select_n3A_277 : vector<16xi1>, vector<16xf32>
        %select_n3A_279 = arith.select %gt3A_271, %get3A_204, %select_n3A_267 : vector<16xi1>, vector<16xf32>
        %jit3A_280 = arith.constant 6.000000e+00 : f32
        %broadcast_in_dim3A_281 = vector.broadcast %jit3A_280 : f32 to vector<16xf32>
        %select_n3A_282 = arith.select %gt3A_271, %broadcast_in_dim3A_281, %select_n3A_270 : vector<16xi1>, vector<16xf32>
        %sub3A_283 = arith.subf %get3A_180, %select_n3A_279 : vector<16xf32>
        %exp3A_284 = math.exp %sub3A_283 : vector<16xf32>
        %sub3A_285 = arith.subf %get3A_184, %select_n3A_279 : vector<16xf32>
        %exp3A_286 = math.exp %sub3A_285 : vector<16xf32>
        %add3A_287 = arith.addf %exp3A_284, %exp3A_286 : vector<16xf32>
        %sub3A_288 = arith.subf %get3A_188, %select_n3A_279 : vector<16xf32>
        %exp3A_289 = math.exp %sub3A_288 : vector<16xf32>
        %add3A_290 = arith.addf %add3A_287, %exp3A_289 : vector<16xf32>
        %sub3A_291 = arith.subf %get3A_192, %select_n3A_279 : vector<16xf32>
        %exp3A_292 = math.exp %sub3A_291 : vector<16xf32>
        %add3A_293 = arith.addf %add3A_290, %exp3A_292 : vector<16xf32>
        %sub3A_294 = arith.subf %get3A_196, %select_n3A_279 : vector<16xf32>
        %exp3A_295 = math.exp %sub3A_294 : vector<16xf32>
        %add3A_296 = arith.addf %add3A_293, %exp3A_295 : vector<16xf32>
        %sub3A_297 = arith.subf %get3A_200, %select_n3A_279 : vector<16xf32>
        %exp3A_298 = math.exp %sub3A_297 : vector<16xf32>
        %add3A_299 = arith.addf %add3A_296, %exp3A_298 : vector<16xf32>
        %sub3A_300 = arith.subf %get3A_204, %select_n3A_279 : vector<16xf32>
        %exp3A_301 = math.exp %sub3A_300 : vector<16xf32>
        %add3A_302 = arith.addf %add3A_299, %exp3A_301 : vector<16xf32>
        %div3A_303 = arith.constant 1.000000e+00 : f32
        %div3A_304 = vector.broadcast %div3A_303 : f32 to vector<16xf32>
        %div3A_305 = arith.divf %div3A_304, %add3A_302 : vector<16xf32>
        %sub3A_306 = arith.subf %select_n3A_274, %select_n3A_279 : vector<16xf32>
        %exp3A_307 = math.exp %sub3A_306 : vector<16xf32>
        %mul3A_308 = arith.mulf %exp3A_307, %div3A_305 : vector<16xf32>
        %sub3A_309 = arith.subf %select_n3A_282, %select_n3A_278 : vector<16xf32>
        %abs3A_310 = math.absf %sub3A_309 : vector<16xf32>
        %sub3A_311 = arith.constant 1.000000e+00 : f32
        %sub3A_312 = vector.broadcast %sub3A_311 : f32 to vector<16xf32>
        %sub3A_313 = arith.subf %abs3A_310, %sub3A_312 : vector<16xf32>
        %mul3A_314 = arith.mulf %mul3A_308, %sub3A_313 : vector<16xf32>
        %add3A_315 = arith.addf %div3A_305, %mul3A_314 : vector<16xf32>
        %add3A_316 = vector.broadcast %mul3A_35 : i32 to vector<16xi32>
        %add3A_317 = arith.addi %iota3A, %add3A_316 : vector<16xi32>
        %add3A_318 = arith.constant 5600 : i32
        %add3A_319 = vector.broadcast %add3A_318 : i32 to vector<16xi32>
        %add3A_320 = arith.addi %add3A_317, %add3A_319 : vector<16xi32>
        %convert_element_type3A_321 = arith.fptosi %select_n3A_282 : vector<16xf32> to vector<16xi32>
        %mul3A_322 = arith.constant 800 : i32
        %mul3A_323 = vector.broadcast %mul3A_322 : i32 to vector<16xi32>
        %mul3A_324 = arith.muli %convert_element_type3A_321, %mul3A_323 : vector<16xi32>
        %add3A_325 = arith.addi %add3A_320, %mul3A_324 : vector<16xi32>
        %gather3A_326 = tpu.vector_load_idx %arg8[%add3A_325] : memref<22400xf32, #tpu.memory_space<vmem>>[vector<16xi32>], vector<16xf32>,
        %add3A_327 = arith.constant 11200 : i32
        %add3A_328 = arith.addi %add3A_327, %mul3A_35 : i32
        %get3A_329 = arith.index_cast %add3A_328 : i32 to index
        %get3A_330 = tpu.vector_load %arg7[%get3A_329] {strides = array<i32>} : memref<22400xf32, #tpu.memory_space<vmem>>, vector<16xf32>,
        %add3A_331 = arith.constant 12000 : i32
        %add3A_332 = arith.addi %add3A_331, %mul3A_35 : i32
        %get3A_333 = arith.index_cast %add3A_332 : i32 to index
        %get3A_334 = tpu.vector_load %arg7[%get3A_333] {strides = array<i32>} : memref<22400xf32, #tpu.memory_space<vmem>>, vector<16xf32>,
        %add3A_335 = arith.constant 12800 : i32
        %add3A_336 = arith.addi %add3A_335, %mul3A_35 : i32
        %get3A_337 = arith.index_cast %add3A_336 : i32 to index
        %get3A_338 = tpu.vector_load %arg7[%get3A_337] {strides = array<i32>} : memref<22400xf32, #tpu.memory_space<vmem>>, vector<16xf32>,
        %add3A_339 = arith.constant 13600 : i32
        %add3A_340 = arith.addi %add3A_339, %mul3A_35 : i32
        %get3A_341 = arith.index_cast %add3A_340 : i32 to index
        %get3A_342 = tpu.vector_load %arg7[%get3A_341] {strides = array<i32>} : memref<22400xf32, #tpu.memory_space<vmem>>, vector<16xf32>,
        %add3A_343 = arith.constant 14400 : i32
        %add3A_344 = arith.addi %add3A_343, %mul3A_35 : i32
        %get3A_345 = arith.index_cast %add3A_344 : i32 to index
        %get3A_346 = tpu.vector_load %arg7[%get3A_345] {strides = array<i32>} : memref<22400xf32, #tpu.memory_space<vmem>>, vector<16xf32>,
        %add3A_347 = arith.constant 15200 : i32
        %add3A_348 = arith.addi %add3A_347, %mul3A_35 : i32
        %get3A_349 = arith.index_cast %add3A_348 : i32 to index
        %get3A_350 = tpu.vector_load %arg7[%get3A_349] {strides = array<i32>} : memref<22400xf32, #tpu.memory_space<vmem>>, vector<16xf32>,
        %add3A_351 = arith.constant 16000 : i32
        %add3A_352 = arith.addi %add3A_351, %mul3A_35 : i32
        %get3A_353 = arith.index_cast %add3A_352 : i32 to index
        %get3A_354 = tpu.vector_load %arg7[%get3A_353] {strides = array<i32>} : memref<22400xf32, #tpu.memory_space<vmem>>, vector<16xf32>,
        %broadcast_in_dim3A_355 = arith.constant 0.000000e+00 : f32
        %broadcast_in_dim3A_356 = vector.broadcast %broadcast_in_dim3A_355 : f32 to vector<16xf32>
        %broadcast_in_dim3A_357 = arith.constant 0xFF800000 : f32
        %broadcast_in_dim3A_358 = vector.broadcast %broadcast_in_dim3A_357 : f32 to vector<16xf32>
        %broadcast_in_dim3A_359 = arith.constant 0.000000e+00 : f32
        %broadcast_in_dim3A_360 = vector.broadcast %broadcast_in_dim3A_359 : f32 to vector<16xf32>
        %gt3A_361 = arith.cmpf ogt, %get3A_334, %get3A_330 : vector<16xf32>
        %gt3A_362 = arith.cmpf ogt, %get3A_334, %broadcast_in_dim3A_358 : vector<16xf32>
        %select_n3A_363 = arith.select %gt3A_362, %get3A_334, %broadcast_in_dim3A_358 : vector<16xi1>, vector<16xf32>
        %select_n3A_364 = arith.select %gt3A_361, %get3A_330, %select_n3A_363 : vector<16xi1>, vector<16xf32>
        %jit3A_365 = arith.constant 1.000000e+00 : f32
        %broadcast_in_dim3A_366 = vector.broadcast %jit3A_365 : f32 to vector<16xf32>
        %select_n3A_367 = arith.select %gt3A_362, %broadcast_in_dim3A_366, %broadcast_in_dim3A_360 : vector<16xi1>, vector<16xf32>
        %select_n3A_368 = arith.select %gt3A_361, %broadcast_in_dim3A_356, %select_n3A_367 : vector<16xi1>, vector<16xf32>
        %select_n3A_369 = arith.select %gt3A_361, %get3A_334, %get3A_330 : vector<16xi1>, vector<16xf32>
        %jit3A_370 = arith.constant 1.000000e+00 : f32
        %broadcast_in_dim3A_371 = vector.broadcast %jit3A_370 : f32 to vector<16xf32>
        %select_n3A_372 = arith.select %gt3A_361, %broadcast_in_dim3A_371, %broadcast_in_dim3A_356 : vector<16xi1>, vector<16xf32>
        %gt3A_373 = arith.cmpf ogt, %get3A_338, %select_n3A_369 : vector<16xf32>
        %gt3A_374 = arith.cmpf ogt, %get3A_338, %select_n3A_364 : vector<16xf32>
        %select_n3A_375 = arith.select %gt3A_374, %get3A_338, %select_n3A_364 : vector<16xi1>, vector<16xf32>
        %select_n3A_376 = arith.select %gt3A_373, %select_n3A_369, %select_n3A_375 : vector<16xi1>, vector<16xf32>
        %jit3A_377 = arith.constant 2.000000e+00 : f32
        %broadcast_in_dim3A_378 = vector.broadcast %jit3A_377 : f32 to vector<16xf32>
        %select_n3A_379 = arith.select %gt3A_374, %broadcast_in_dim3A_378, %select_n3A_368 : vector<16xi1>, vector<16xf32>
        %select_n3A_380 = arith.select %gt3A_373, %select_n3A_372, %select_n3A_379 : vector<16xi1>, vector<16xf32>
        %select_n3A_381 = arith.select %gt3A_373, %get3A_338, %select_n3A_369 : vector<16xi1>, vector<16xf32>
        %jit3A_382 = arith.constant 2.000000e+00 : f32
        %broadcast_in_dim3A_383 = vector.broadcast %jit3A_382 : f32 to vector<16xf32>
        %select_n3A_384 = arith.select %gt3A_373, %broadcast_in_dim3A_383, %select_n3A_372 : vector<16xi1>, vector<16xf32>
        %gt3A_385 = arith.cmpf ogt, %get3A_342, %select_n3A_381 : vector<16xf32>
        %gt3A_386 = arith.cmpf ogt, %get3A_342, %select_n3A_376 : vector<16xf32>
        %select_n3A_387 = arith.select %gt3A_386, %get3A_342, %select_n3A_376 : vector<16xi1>, vector<16xf32>
        %select_n3A_388 = arith.select %gt3A_385, %select_n3A_381, %select_n3A_387 : vector<16xi1>, vector<16xf32>
        %jit3A_389 = arith.constant 3.000000e+00 : f32
        %broadcast_in_dim3A_390 = vector.broadcast %jit3A_389 : f32 to vector<16xf32>
        %select_n3A_391 = arith.select %gt3A_386, %broadcast_in_dim3A_390, %select_n3A_380 : vector<16xi1>, vector<16xf32>
        %select_n3A_392 = arith.select %gt3A_385, %select_n3A_384, %select_n3A_391 : vector<16xi1>, vector<16xf32>
        %select_n3A_393 = arith.select %gt3A_385, %get3A_342, %select_n3A_381 : vector<16xi1>, vector<16xf32>
        %jit3A_394 = arith.constant 3.000000e+00 : f32
        %broadcast_in_dim3A_395 = vector.broadcast %jit3A_394 : f32 to vector<16xf32>
        %select_n3A_396 = arith.select %gt3A_385, %broadcast_in_dim3A_395, %select_n3A_384 : vector<16xi1>, vector<16xf32>
        %gt3A_397 = arith.cmpf ogt, %get3A_346, %select_n3A_393 : vector<16xf32>
        %gt3A_398 = arith.cmpf ogt, %get3A_346, %select_n3A_388 : vector<16xf32>
        %select_n3A_399 = arith.select %gt3A_398, %get3A_346, %select_n3A_388 : vector<16xi1>, vector<16xf32>
        %select_n3A_400 = arith.select %gt3A_397, %select_n3A_393, %select_n3A_399 : vector<16xi1>, vector<16xf32>
        %jit3A_401 = arith.constant 4.000000e+00 : f32
        %broadcast_in_dim3A_402 = vector.broadcast %jit3A_401 : f32 to vector<16xf32>
        %select_n3A_403 = arith.select %gt3A_398, %broadcast_in_dim3A_402, %select_n3A_392 : vector<16xi1>, vector<16xf32>
        %select_n3A_404 = arith.select %gt3A_397, %select_n3A_396, %select_n3A_403 : vector<16xi1>, vector<16xf32>
        %select_n3A_405 = arith.select %gt3A_397, %get3A_346, %select_n3A_393 : vector<16xi1>, vector<16xf32>
        %jit3A_406 = arith.constant 4.000000e+00 : f32
        %broadcast_in_dim3A_407 = vector.broadcast %jit3A_406 : f32 to vector<16xf32>
        %select_n3A_408 = arith.select %gt3A_397, %broadcast_in_dim3A_407, %select_n3A_396 : vector<16xi1>, vector<16xf32>
        %gt3A_409 = arith.cmpf ogt, %get3A_350, %select_n3A_405 : vector<16xf32>
        %gt3A_410 = arith.cmpf ogt, %get3A_350, %select_n3A_400 : vector<16xf32>
        %select_n3A_411 = arith.select %gt3A_410, %get3A_350, %select_n3A_400 : vector<16xi1>, vector<16xf32>
        %select_n3A_412 = arith.select %gt3A_409, %select_n3A_405, %select_n3A_411 : vector<16xi1>, vector<16xf32>
        %jit3A_413 = arith.constant 5.000000e+00 : f32
        %broadcast_in_dim3A_414 = vector.broadcast %jit3A_413 : f32 to vector<16xf32>
        %select_n3A_415 = arith.select %gt3A_410, %broadcast_in_dim3A_414, %select_n3A_404 : vector<16xi1>, vector<16xf32>
        %select_n3A_416 = arith.select %gt3A_409, %select_n3A_408, %select_n3A_415 : vector<16xi1>, vector<16xf32>
        %select_n3A_417 = arith.select %gt3A_409, %get3A_350, %select_n3A_405 : vector<16xi1>, vector<16xf32>
        %jit3A_418 = arith.constant 5.000000e+00 : f32
        %broadcast_in_dim3A_419 = vector.broadcast %jit3A_418 : f32 to vector<16xf32>
        %select_n3A_420 = arith.select %gt3A_409, %broadcast_in_dim3A_419, %select_n3A_408 : vector<16xi1>, vector<16xf32>
        %gt3A_421 = arith.cmpf ogt, %get3A_354, %select_n3A_417 : vector<16xf32>
        %gt3A_422 = arith.cmpf ogt, %get3A_354, %select_n3A_412 : vector<16xf32>
        %select_n3A_423 = arith.select %gt3A_422, %get3A_354, %select_n3A_412 : vector<16xi1>, vector<16xf32>
        %select_n3A_424 = arith.select %gt3A_421, %select_n3A_417, %select_n3A_423 : vector<16xi1>, vector<16xf32>
        %jit3A_425 = arith.constant 6.000000e+00 : f32
        %broadcast_in_dim3A_426 = vector.broadcast %jit3A_425 : f32 to vector<16xf32>
        %select_n3A_427 = arith.select %gt3A_422, %broadcast_in_dim3A_426, %select_n3A_416 : vector<16xi1>, vector<16xf32>
        %select_n3A_428 = arith.select %gt3A_421, %select_n3A_420, %select_n3A_427 : vector<16xi1>, vector<16xf32>
        %select_n3A_429 = arith.select %gt3A_421, %get3A_354, %select_n3A_417 : vector<16xi1>, vector<16xf32>
        %jit3A_430 = arith.constant 6.000000e+00 : f32
        %broadcast_in_dim3A_431 = vector.broadcast %jit3A_430 : f32 to vector<16xf32>
        %select_n3A_432 = arith.select %gt3A_421, %broadcast_in_dim3A_431, %select_n3A_420 : vector<16xi1>, vector<16xf32>
        %sub3A_433 = arith.subf %get3A_330, %select_n3A_429 : vector<16xf32>
        %exp3A_434 = math.exp %sub3A_433 : vector<16xf32>
        %sub3A_435 = arith.subf %get3A_334, %select_n3A_429 : vector<16xf32>
        %exp3A_436 = math.exp %sub3A_435 : vector<16xf32>
        %add3A_437 = arith.addf %exp3A_434, %exp3A_436 : vector<16xf32>
        %sub3A_438 = arith.subf %get3A_338, %select_n3A_429 : vector<16xf32>
        %exp3A_439 = math.exp %sub3A_438 : vector<16xf32>
        %add3A_440 = arith.addf %add3A_437, %exp3A_439 : vector<16xf32>
        %sub3A_441 = arith.subf %get3A_342, %select_n3A_429 : vector<16xf32>
        %exp3A_442 = math.exp %sub3A_441 : vector<16xf32>
        %add3A_443 = arith.addf %add3A_440, %exp3A_442 : vector<16xf32>
        %sub3A_444 = arith.subf %get3A_346, %select_n3A_429 : vector<16xf32>
        %exp3A_445 = math.exp %sub3A_444 : vector<16xf32>
        %add3A_446 = arith.addf %add3A_443, %exp3A_445 : vector<16xf32>
        %sub3A_447 = arith.subf %get3A_350, %select_n3A_429 : vector<16xf32>
        %exp3A_448 = math.exp %sub3A_447 : vector<16xf32>
        %add3A_449 = arith.addf %add3A_446, %exp3A_448 : vector<16xf32>
        %sub3A_450 = arith.subf %get3A_354, %select_n3A_429 : vector<16xf32>
        %exp3A_451 = math.exp %sub3A_450 : vector<16xf32>
        %add3A_452 = arith.addf %add3A_449, %exp3A_451 : vector<16xf32>
        %div3A_453 = arith.constant 1.000000e+00 : f32
        %div3A_454 = vector.broadcast %div3A_453 : f32 to vector<16xf32>
        %div3A_455 = arith.divf %div3A_454, %add3A_452 : vector<16xf32>
        %sub3A_456 = arith.subf %select_n3A_424, %select_n3A_429 : vector<16xf32>
        %exp3A_457 = math.exp %sub3A_456 : vector<16xf32>
        %mul3A_458 = arith.mulf %exp3A_457, %div3A_455 : vector<16xf32>
        %sub3A_459 = arith.subf %select_n3A_432, %select_n3A_428 : vector<16xf32>
        %abs3A_460 = math.absf %sub3A_459 : vector<16xf32>
        %sub3A_461 = arith.constant 1.000000e+00 : f32
        %sub3A_462 = vector.broadcast %sub3A_461 : f32 to vector<16xf32>
        %sub3A_463 = arith.subf %abs3A_460, %sub3A_462 : vector<16xf32>
        %mul3A_464 = arith.mulf %mul3A_458, %sub3A_463 : vector<16xf32>
        %add3A_465 = arith.addf %div3A_455, %mul3A_464 : vector<16xf32>
        %add3A_466 = vector.broadcast %mul3A_35 : i32 to vector<16xi32>
        %add3A_467 = arith.addi %iota3A, %add3A_466 : vector<16xi32>
        %add3A_468 = arith.constant 11200 : i32
        %add3A_469 = vector.broadcast %add3A_468 : i32 to vector<16xi32>
        %add3A_470 = arith.addi %add3A_467, %add3A_469 : vector<16xi32>
        %convert_element_type3A_471 = arith.fptosi %select_n3A_432 : vector<16xf32> to vector<16xi32>
        %mul3A_472 = arith.constant 800 : i32
        %mul3A_473 = vector.broadcast %mul3A_472 : i32 to vector<16xi32>
        %mul3A_474 = arith.muli %convert_element_type3A_471, %mul3A_473 : vector<16xi32>
        %add3A_475 = arith.addi %add3A_470, %mul3A_474 : vector<16xi32>
        %gather3A_476 = tpu.vector_load_idx %arg8[%add3A_475] : memref<22400xf32, #tpu.memory_space<vmem>>[vector<16xi32>], vector<16xf32>,
        %add3A_477 = arith.constant 16800 : i32
        %add3A_478 = arith.addi %add3A_477, %mul3A_35 : i32
        %get3A_479 = arith.index_cast %add3A_478 : i32 to index
        %get3A_480 = tpu.vector_load %arg7[%get3A_479] {strides = array<i32>} : memref<22400xf32, #tpu.memory_space<vmem>>, vector<16xf32>,
        %add3A_481 = arith.constant 17600 : i32
        %add3A_482 = arith.addi %add3A_481, %mul3A_35 : i32
        %get3A_483 = arith.index_cast %add3A_482 : i32 to index
        %get3A_484 = tpu.vector_load %arg7[%get3A_483] {strides = array<i32>} : memref<22400xf32, #tpu.memory_space<vmem>>, vector<16xf32>,
        %add3A_485 = arith.constant 18400 : i32
        %add3A_486 = arith.addi %add3A_485, %mul3A_35 : i32
        %get3A_487 = arith.index_cast %add3A_486 : i32 to index
        %get3A_488 = tpu.vector_load %arg7[%get3A_487] {strides = array<i32>} : memref<22400xf32, #tpu.memory_space<vmem>>, vector<16xf32>,
        %add3A_489 = arith.constant 19200 : i32
        %add3A_490 = arith.addi %add3A_489, %mul3A_35 : i32
        %get3A_491 = arith.index_cast %add3A_490 : i32 to index
        %get3A_492 = tpu.vector_load %arg7[%get3A_491] {strides = array<i32>} : memref<22400xf32, #tpu.memory_space<vmem>>, vector<16xf32>,
        %add3A_493 = arith.constant 20000 : i32
        %add3A_494 = arith.addi %add3A_493, %mul3A_35 : i32
        %get3A_495 = arith.index_cast %add3A_494 : i32 to index
        %get3A_496 = tpu.vector_load %arg7[%get3A_495] {strides = array<i32>} : memref<22400xf32, #tpu.memory_space<vmem>>, vector<16xf32>,
        %add3A_497 = arith.constant 20800 : i32
        %add3A_498 = arith.addi %add3A_497, %mul3A_35 : i32
        %get3A_499 = arith.index_cast %add3A_498 : i32 to index
        %get3A_500 = tpu.vector_load %arg7[%get3A_499] {strides = array<i32>} : memref<22400xf32, #tpu.memory_space<vmem>>, vector<16xf32>,
        %add3A_501 = arith.constant 21600 : i32
        %add3A_502 = arith.addi %add3A_501, %mul3A_35 : i32
        %get3A_503 = arith.index_cast %add3A_502 : i32 to index
        %get3A_504 = tpu.vector_load %arg7[%get3A_503] {strides = array<i32>} : memref<22400xf32, #tpu.memory_space<vmem>>, vector<16xf32>,
        %broadcast_in_dim3A_505 = arith.constant 0.000000e+00 : f32
        %broadcast_in_dim3A_506 = vector.broadcast %broadcast_in_dim3A_505 : f32 to vector<16xf32>
        %broadcast_in_dim3A_507 = arith.constant 0xFF800000 : f32
        %broadcast_in_dim3A_508 = vector.broadcast %broadcast_in_dim3A_507 : f32 to vector<16xf32>
        %broadcast_in_dim3A_509 = arith.constant 0.000000e+00 : f32
        %broadcast_in_dim3A_510 = vector.broadcast %broadcast_in_dim3A_509 : f32 to vector<16xf32>
        %gt3A_511 = arith.cmpf ogt, %get3A_484, %get3A_480 : vector<16xf32>
        %gt3A_512 = arith.cmpf ogt, %get3A_484, %broadcast_in_dim3A_508 : vector<16xf32>
        %select_n3A_513 = arith.select %gt3A_512, %get3A_484, %broadcast_in_dim3A_508 : vector<16xi1>, vector<16xf32>
        %select_n3A_514 = arith.select %gt3A_511, %get3A_480, %select_n3A_513 : vector<16xi1>, vector<16xf32>
        %jit3A_515 = arith.constant 1.000000e+00 : f32
        %broadcast_in_dim3A_516 = vector.broadcast %jit3A_515 : f32 to vector<16xf32>
        %select_n3A_517 = arith.select %gt3A_512, %broadcast_in_dim3A_516, %broadcast_in_dim3A_510 : vector<16xi1>, vector<16xf32>
        %select_n3A_518 = arith.select %gt3A_511, %broadcast_in_dim3A_506, %select_n3A_517 : vector<16xi1>, vector<16xf32>
        %select_n3A_519 = arith.select %gt3A_511, %get3A_484, %get3A_480 : vector<16xi1>, vector<16xf32>
        %jit3A_520 = arith.constant 1.000000e+00 : f32
        %broadcast_in_dim3A_521 = vector.broadcast %jit3A_520 : f32 to vector<16xf32>
        %select_n3A_522 = arith.select %gt3A_511, %broadcast_in_dim3A_521, %broadcast_in_dim3A_506 : vector<16xi1>, vector<16xf32>
        %gt3A_523 = arith.cmpf ogt, %get3A_488, %select_n3A_519 : vector<16xf32>
        %gt3A_524 = arith.cmpf ogt, %get3A_488, %select_n3A_514 : vector<16xf32>
        %select_n3A_525 = arith.select %gt3A_524, %get3A_488, %select_n3A_514 : vector<16xi1>, vector<16xf32>
        %select_n3A_526 = arith.select %gt3A_523, %select_n3A_519, %select_n3A_525 : vector<16xi1>, vector<16xf32>
        %jit3A_527 = arith.constant 2.000000e+00 : f32
        %broadcast_in_dim3A_528 = vector.broadcast %jit3A_527 : f32 to vector<16xf32>
        %select_n3A_529 = arith.select %gt3A_524, %broadcast_in_dim3A_528, %select_n3A_518 : vector<16xi1>, vector<16xf32>
        %select_n3A_530 = arith.select %gt3A_523, %select_n3A_522, %select_n3A_529 : vector<16xi1>, vector<16xf32>
        %select_n3A_531 = arith.select %gt3A_523, %get3A_488, %select_n3A_519 : vector<16xi1>, vector<16xf32>
        %jit3A_532 = arith.constant 2.000000e+00 : f32
        %broadcast_in_dim3A_533 = vector.broadcast %jit3A_532 : f32 to vector<16xf32>
        %select_n3A_534 = arith.select %gt3A_523, %broadcast_in_dim3A_533, %select_n3A_522 : vector<16xi1>, vector<16xf32>
        %gt3A_535 = arith.cmpf ogt, %get3A_492, %select_n3A_531 : vector<16xf32>
        %gt3A_536 = arith.cmpf ogt, %get3A_492, %select_n3A_526 : vector<16xf32>
        %select_n3A_537 = arith.select %gt3A_536, %get3A_492, %select_n3A_526 : vector<16xi1>, vector<16xf32>
        %select_n3A_538 = arith.select %gt3A_535, %select_n3A_531, %select_n3A_537 : vector<16xi1>, vector<16xf32>
        %jit3A_539 = arith.constant 3.000000e+00 : f32
        %broadcast_in_dim3A_540 = vector.broadcast %jit3A_539 : f32 to vector<16xf32>
        %select_n3A_541 = arith.select %gt3A_536, %broadcast_in_dim3A_540, %select_n3A_530 : vector<16xi1>, vector<16xf32>
        %select_n3A_542 = arith.select %gt3A_535, %select_n3A_534, %select_n3A_541 : vector<16xi1>, vector<16xf32>
        %select_n3A_543 = arith.select %gt3A_535, %get3A_492, %select_n3A_531 : vector<16xi1>, vector<16xf32>
        %jit3A_544 = arith.constant 3.000000e+00 : f32
        %broadcast_in_dim3A_545 = vector.broadcast %jit3A_544 : f32 to vector<16xf32>
        %select_n3A_546 = arith.select %gt3A_535, %broadcast_in_dim3A_545, %select_n3A_534 : vector<16xi1>, vector<16xf32>
        %gt3A_547 = arith.cmpf ogt, %get3A_496, %select_n3A_543 : vector<16xf32>
        %gt3A_548 = arith.cmpf ogt, %get3A_496, %select_n3A_538 : vector<16xf32>
        %select_n3A_549 = arith.select %gt3A_548, %get3A_496, %select_n3A_538 : vector<16xi1>, vector<16xf32>
        %select_n3A_550 = arith.select %gt3A_547, %select_n3A_543, %select_n3A_549 : vector<16xi1>, vector<16xf32>
        %jit3A_551 = arith.constant 4.000000e+00 : f32
        %broadcast_in_dim3A_552 = vector.broadcast %jit3A_551 : f32 to vector<16xf32>
        %select_n3A_553 = arith.select %gt3A_548, %broadcast_in_dim3A_552, %select_n3A_542 : vector<16xi1>, vector<16xf32>
        %select_n3A_554 = arith.select %gt3A_547, %select_n3A_546, %select_n3A_553 : vector<16xi1>, vector<16xf32>
        %select_n3A_555 = arith.select %gt3A_547, %get3A_496, %select_n3A_543 : vector<16xi1>, vector<16xf32>
        %jit3A_556 = arith.constant 4.000000e+00 : f32
        %broadcast_in_dim3A_557 = vector.broadcast %jit3A_556 : f32 to vector<16xf32>
        %select_n3A_558 = arith.select %gt3A_547, %broadcast_in_dim3A_557, %select_n3A_546 : vector<16xi1>, vector<16xf32>
        %gt3A_559 = arith.cmpf ogt, %get3A_500, %select_n3A_555 : vector<16xf32>
        %gt3A_560 = arith.cmpf ogt, %get3A_500, %select_n3A_550 : vector<16xf32>
        %select_n3A_561 = arith.select %gt3A_560, %get3A_500, %select_n3A_550 : vector<16xi1>, vector<16xf32>
        %select_n3A_562 = arith.select %gt3A_559, %select_n3A_555, %select_n3A_561 : vector<16xi1>, vector<16xf32>
        %jit3A_563 = arith.constant 5.000000e+00 : f32
        %broadcast_in_dim3A_564 = vector.broadcast %jit3A_563 : f32 to vector<16xf32>
        %select_n3A_565 = arith.select %gt3A_560, %broadcast_in_dim3A_564, %select_n3A_554 : vector<16xi1>, vector<16xf32>
        %select_n3A_566 = arith.select %gt3A_559, %select_n3A_558, %select_n3A_565 : vector<16xi1>, vector<16xf32>
        %select_n3A_567 = arith.select %gt3A_559, %get3A_500, %select_n3A_555 : vector<16xi1>, vector<16xf32>
        %jit3A_568 = arith.constant 5.000000e+00 : f32
        %broadcast_in_dim3A_569 = vector.broadcast %jit3A_568 : f32 to vector<16xf32>
        %select_n3A_570 = arith.select %gt3A_559, %broadcast_in_dim3A_569, %select_n3A_558 : vector<16xi1>, vector<16xf32>
        %gt3A_571 = arith.cmpf ogt, %get3A_504, %select_n3A_567 : vector<16xf32>
        %gt3A_572 = arith.cmpf ogt, %get3A_504, %select_n3A_562 : vector<16xf32>
        %select_n3A_573 = arith.select %gt3A_572, %get3A_504, %select_n3A_562 : vector<16xi1>, vector<16xf32>
        %select_n3A_574 = arith.select %gt3A_571, %select_n3A_567, %select_n3A_573 : vector<16xi1>, vector<16xf32>
        %jit3A_575 = arith.constant 6.000000e+00 : f32
        %broadcast_in_dim3A_576 = vector.broadcast %jit3A_575 : f32 to vector<16xf32>
        %select_n3A_577 = arith.select %gt3A_572, %broadcast_in_dim3A_576, %select_n3A_566 : vector<16xi1>, vector<16xf32>
        %select_n3A_578 = arith.select %gt3A_571, %select_n3A_570, %select_n3A_577 : vector<16xi1>, vector<16xf32>
        %select_n3A_579 = arith.select %gt3A_571, %get3A_504, %select_n3A_567 : vector<16xi1>, vector<16xf32>
        %jit3A_580 = arith.constant 6.000000e+00 : f32
        %broadcast_in_dim3A_581 = vector.broadcast %jit3A_580 : f32 to vector<16xf32>
        %select_n3A_582 = arith.select %gt3A_571, %broadcast_in_dim3A_581, %select_n3A_570 : vector<16xi1>, vector<16xf32>
        %sub3A_583 = arith.subf %get3A_480, %select_n3A_579 : vector<16xf32>
        %exp3A_584 = math.exp %sub3A_583 : vector<16xf32>
        %sub3A_585 = arith.subf %get3A_484, %select_n3A_579 : vector<16xf32>
        %exp3A_586 = math.exp %sub3A_585 : vector<16xf32>
        %add3A_587 = arith.addf %exp3A_584, %exp3A_586 : vector<16xf32>
        %sub3A_588 = arith.subf %get3A_488, %select_n3A_579 : vector<16xf32>
        %exp3A_589 = math.exp %sub3A_588 : vector<16xf32>
        %add3A_590 = arith.addf %add3A_587, %exp3A_589 : vector<16xf32>
        %sub3A_591 = arith.subf %get3A_492, %select_n3A_579 : vector<16xf32>
        %exp3A_592 = math.exp %sub3A_591 : vector<16xf32>
        %add3A_593 = arith.addf %add3A_590, %exp3A_592 : vector<16xf32>
        %sub3A_594 = arith.subf %get3A_496, %select_n3A_579 : vector<16xf32>
        %exp3A_595 = math.exp %sub3A_594 : vector<16xf32>
        %add3A_596 = arith.addf %add3A_593, %exp3A_595 : vector<16xf32>
        %sub3A_597 = arith.subf %get3A_500, %select_n3A_579 : vector<16xf32>
        %exp3A_598 = math.exp %sub3A_597 : vector<16xf32>
        %add3A_599 = arith.addf %add3A_596, %exp3A_598 : vector<16xf32>
        %sub3A_600 = arith.subf %get3A_504, %select_n3A_579 : vector<16xf32>
        %exp3A_601 = math.exp %sub3A_600 : vector<16xf32>
        %add3A_602 = arith.addf %add3A_599, %exp3A_601 : vector<16xf32>
        %div3A_603 = arith.constant 1.000000e+00 : f32
        %div3A_604 = vector.broadcast %div3A_603 : f32 to vector<16xf32>
        %div3A_605 = arith.divf %div3A_604, %add3A_602 : vector<16xf32>
        %sub3A_606 = arith.subf %select_n3A_574, %select_n3A_579 : vector<16xf32>
        %exp3A_607 = math.exp %sub3A_606 : vector<16xf32>
        %mul3A_608 = arith.mulf %exp3A_607, %div3A_605 : vector<16xf32>
        %sub3A_609 = arith.subf %select_n3A_582, %select_n3A_578 : vector<16xf32>
        %abs3A_610 = math.absf %sub3A_609 : vector<16xf32>
        %sub3A_611 = arith.constant 1.000000e+00 : f32
        %sub3A_612 = vector.broadcast %sub3A_611 : f32 to vector<16xf32>
        %sub3A_613 = arith.subf %abs3A_610, %sub3A_612 : vector<16xf32>
        %mul3A_614 = arith.mulf %mul3A_608, %sub3A_613 : vector<16xf32>
        %add3A_615 = arith.addf %div3A_605, %mul3A_614 : vector<16xf32>
        %add3A_616 = vector.broadcast %mul3A_35 : i32 to vector<16xi32>
        %add3A_617 = arith.addi %iota3A, %add3A_616 : vector<16xi32>
        %add3A_618 = arith.constant 16800 : i32
        %add3A_619 = vector.broadcast %add3A_618 : i32 to vector<16xi32>
        %add3A_620 = arith.addi %add3A_617, %add3A_619 : vector<16xi32>
        %convert_element_type3A_621 = arith.fptosi %select_n3A_582 : vector<16xf32> to vector<16xi32>
        %mul3A_622 = arith.constant 800 : i32
        %mul3A_623 = vector.broadcast %mul3A_622 : i32 to vector<16xi32>
        %mul3A_624 = arith.muli %convert_element_type3A_621, %mul3A_623 : vector<16xi32>
        %add3A_625 = arith.addi %add3A_620, %mul3A_624 : vector<16xi32>
        %gather3A_626 = tpu.vector_load_idx %arg8[%add3A_625] : memref<22400xf32, #tpu.memory_space<vmem>>[vector<16xi32>], vector<16xf32>,
        %add3A_627 = arith.constant 0 : i32
        %add3A_628 = arith.addi %add3A_627, %mul3A_35 : i32
        %get3A_629 = arith.index_cast %add3A_628 : i32 to index
        %get3A_630 = tpu.vector_load %arg9[%get3A_629] {strides = array<i32>} : memref<3200xf32, #tpu.memory_space<vmem>>, vector<16xf32>,
        %add3A_631 = arith.constant 800 : i32
        %add3A_632 = arith.addi %add3A_631, %mul3A_35 : i32
        %get3A_633 = arith.index_cast %add3A_632 : i32 to index
        %get3A_634 = tpu.vector_load %arg9[%get3A_633] {strides = array<i32>} : memref<3200xf32, #tpu.memory_space<vmem>>, vector<16xf32>,
        %add3A_635 = arith.constant 1600 : i32
        %add3A_636 = arith.addi %add3A_635, %mul3A_35 : i32
        %get3A_637 = arith.index_cast %add3A_636 : i32 to index
        %get3A_638 = tpu.vector_load %arg9[%get3A_637] {strides = array<i32>} : memref<3200xf32, #tpu.memory_space<vmem>>, vector<16xf32>,
        %add3A_639 = arith.constant 2400 : i32
        %add3A_640 = arith.addi %add3A_639, %mul3A_35 : i32
        %get3A_641 = arith.index_cast %add3A_640 : i32 to index
        %get3A_642 = tpu.vector_load %arg9[%get3A_641] {strides = array<i32>} : memref<3200xf32, #tpu.memory_space<vmem>>, vector<16xf32>,
        %add3A_643 = arith.addf %get3A_630, %get3A_638 : vector<16xf32>
        %mul3A_644 = arith.constant 5.000000e-01 : f32
        %mul3A_645 = vector.broadcast %mul3A_644 : f32 to vector<16xf32>
        %mul3A_646 = arith.mulf %add3A_643, %mul3A_645 : vector<16xf32>
        %add3A_647 = arith.addf %get3A_634, %get3A_642 : vector<16xf32>
        %mul3A_648 = arith.constant 5.000000e-01 : f32
        %mul3A_649 = vector.broadcast %mul3A_648 : f32 to vector<16xf32>
        %mul3A_650 = arith.mulf %add3A_647, %mul3A_649 : vector<16xf32>
        %sub3A_651 = arith.subf %get3A_638, %get3A_630 : vector<16xf32>
        %mul3A_652 = arith.constant 1.700000e+00 : f32
        %mul3A_653 = vector.broadcast %mul3A_652 : f32 to vector<16xf32>
        %mul3A_654 = arith.mulf %sub3A_651, %mul3A_653 : vector<16xf32>
        %sub3A_655 = arith.subf %get3A_642, %get3A_634 : vector<16xf32>
        %mul3A_656 = arith.constant 1.700000e+00 : f32
        %mul3A_657 = vector.broadcast %mul3A_656 : f32 to vector<16xf32>
        %mul3A_658 = arith.mulf %sub3A_655, %mul3A_657 : vector<16xf32>
        %mul3A_659 = arith.constant 5.000000e-01 : f32
        %mul3A_660 = vector.broadcast %mul3A_659 : f32 to vector<16xf32>
        %mul3A_661 = arith.mulf %mul3A_660, %mul3A_654 : vector<16xf32>
        %sub3A_662 = arith.subf %mul3A_646, %mul3A_661 : vector<16xf32>
        %mul3A_663 = arith.constant 5.000000e-01 : f32
        %mul3A_664 = vector.broadcast %mul3A_663 : f32 to vector<16xf32>
        %mul3A_665 = arith.mulf %mul3A_664, %mul3A_654 : vector<16xf32>
        %add3A_666 = arith.addf %mul3A_646, %mul3A_665 : vector<16xf32>
        %mul3A_667 = arith.constant 5.000000e-01 : f32
        %mul3A_668 = vector.broadcast %mul3A_667 : f32 to vector<16xf32>
        %mul3A_669 = arith.mulf %mul3A_668, %mul3A_658 : vector<16xf32>
        %sub3A_670 = arith.subf %mul3A_650, %mul3A_669 : vector<16xf32>
        %mul3A_671 = arith.constant 5.000000e-01 : f32
        %mul3A_672 = vector.broadcast %mul3A_671 : f32 to vector<16xf32>
        %mul3A_673 = arith.mulf %mul3A_672, %mul3A_658 : vector<16xf32>
        %add3A_674 = arith.addf %mul3A_650, %mul3A_673 : vector<16xf32>
        %sub3A_675 = arith.subf %add3A_666, %sub3A_662 : vector<16xf32>
        %mul3A_676 = arith.constant 0.0714285746 : f32
        %mul3A_677 = vector.broadcast %mul3A_676 : f32 to vector<16xf32>
        %mul3A_678 = arith.mulf %sub3A_675, %mul3A_677 : vector<16xf32>
        %sub3A_679 = arith.subf %add3A_674, %sub3A_670 : vector<16xf32>
        %mul3A_680 = arith.constant 0.0714285746 : f32
        %mul3A_681 = vector.broadcast %mul3A_680 : f32 to vector<16xf32>
        %mul3A_682 = arith.mulf %sub3A_679, %mul3A_681 : vector<16xf32>
        %add3A_683 = arith.constant 5.000000e-01 : f32
        %add3A_684 = vector.broadcast %add3A_683 : f32 to vector<16xf32>
        %add3A_685 = arith.addf %add3A_684, %select_n3A_138 : vector<16xf32>
        %mul3A_686 = arith.mulf %add3A_685, %mul3A_678 : vector<16xf32>
        %add3A_687 = arith.addf %sub3A_662, %mul3A_686 : vector<16xf32>
        %mul3A_688 = arith.mulf %gather3A, %mul3A_678 : vector<16xf32>
        %sub3A_689 = arith.subf %add3A_687, %mul3A_688 : vector<16xf32>
        %add3A_690 = arith.constant 5.000000e-01 : f32
        %add3A_691 = vector.broadcast %add3A_690 : f32 to vector<16xf32>
        %add3A_692 = arith.addf %add3A_691, %select_n3A_282 : vector<16xf32>
        %mul3A_693 = arith.mulf %add3A_692, %mul3A_678 : vector<16xf32>
        %sub3A_694 = arith.subf %add3A_666, %mul3A_693 : vector<16xf32>
        %mul3A_695 = arith.mulf %gather3A_326, %mul3A_678 : vector<16xf32>
        %sub3A_696 = arith.subf %sub3A_694, %mul3A_695 : vector<16xf32>
        %add3A_697 = arith.constant 5.000000e-01 : f32
        %add3A_698 = vector.broadcast %add3A_697 : f32 to vector<16xf32>
        %add3A_699 = arith.addf %add3A_698, %select_n3A_432 : vector<16xf32>
        %mul3A_700 = arith.mulf %add3A_699, %mul3A_682 : vector<16xf32>
        %add3A_701 = arith.addf %sub3A_670, %mul3A_700 : vector<16xf32>
        %mul3A_702 = arith.mulf %gather3A_476, %mul3A_682 : vector<16xf32>
        %sub3A_703 = arith.subf %add3A_701, %mul3A_702 : vector<16xf32>
        %add3A_704 = arith.constant 5.000000e-01 : f32
        %add3A_705 = vector.broadcast %add3A_704 : f32 to vector<16xf32>
        %add3A_706 = arith.addf %add3A_705, %select_n3A_582 : vector<16xf32>
        %mul3A_707 = arith.mulf %add3A_706, %mul3A_682 : vector<16xf32>
        %sub3A_708 = arith.subf %add3A_674, %mul3A_707 : vector<16xf32>
        %mul3A_709 = arith.mulf %gather3A_626, %mul3A_682 : vector<16xf32>
        %sub3A_710 = arith.subf %sub3A_708, %mul3A_709 : vector<16xf32>
        %add3A_711 = arith.addf %add3A_167, %add3A_315 : vector<16xf32>
        %add3A_712 = arith.addf %add3A_711, %add3A_465 : vector<16xf32>
        %add3A_713 = arith.addf %add3A_712, %add3A_615 : vector<16xf32>
        %mul3A_714 = arith.constant 2.500000e-01 : f32
        %mul3A_715 = vector.broadcast %mul3A_714 : f32 to vector<16xf32>
        %mul3A_716 = arith.mulf %add3A_713, %mul3A_715 : vector<16xf32>
        %add3A_717 = arith.constant 0 : i32
        %add3A_718 = arith.addi %add3A_717, %mul3A_35 : i32
        %swap3A = arith.index_cast %add3A_718 : i32 to index
        %swap3A_719 = tpu.vector_load %arg10[%swap3A] {strides = array<i32>} : memref<3200xf32, #tpu.memory_space<vmem>>, vector<16xf32>,
        tpu.vector_store %arg10[%swap3A], %sub3A_689 {strides = array<i32>} : memref<3200xf32, #tpu.memory_space<vmem>>, vector<16xf32>,
        %add3A_720 = arith.constant 800 : i32
        %add3A_721 = arith.addi %add3A_720, %mul3A_35 : i32
        %swap3A_722 = arith.index_cast %add3A_721 : i32 to index
        %swap3A_723 = tpu.vector_load %arg10[%swap3A_722] {strides = array<i32>} : memref<3200xf32, #tpu.memory_space<vmem>>, vector<16xf32>,
        tpu.vector_store %arg10[%swap3A_722], %sub3A_703 {strides = array<i32>} : memref<3200xf32, #tpu.memory_space<vmem>>, vector<16xf32>,
        %add3A_724 = arith.constant 1600 : i32
        %add3A_725 = arith.addi %add3A_724, %mul3A_35 : i32
        %swap3A_726 = arith.index_cast %add3A_725 : i32 to index
        %swap3A_727 = tpu.vector_load %arg10[%swap3A_726] {strides = array<i32>} : memref<3200xf32, #tpu.memory_space<vmem>>, vector<16xf32>,
        tpu.vector_store %arg10[%swap3A_726], %sub3A_696 {strides = array<i32>} : memref<3200xf32, #tpu.memory_space<vmem>>, vector<16xf32>,
        %add3A_728 = arith.constant 2400 : i32
        %add3A_729 = arith.addi %add3A_728, %mul3A_35 : i32
        %swap3A_730 = arith.index_cast %add3A_729 : i32 to index
        %swap3A_731 = tpu.vector_load %arg10[%swap3A_730] {strides = array<i32>} : memref<3200xf32, #tpu.memory_space<vmem>>, vector<16xf32>,
        tpu.vector_store %arg10[%swap3A_730], %sub3A_710 {strides = array<i32>} : memref<3200xf32, #tpu.memory_space<vmem>>, vector<16xf32>,
        %swap3A_732 = arith.index_cast %mul3A_35 : i32 to index
        %swap3A_733 = tpu.vector_load %arg11[%swap3A_732] {strides = array<i32>} : memref<800xf32, #tpu.memory_space<vmem>>, vector<16xf32>,
        tpu.vector_store %arg11[%swap3A_732], %mul3A_716 {strides = array<i32>} : memref<800xf32, #tpu.memory_space<vmem>>, vector<16xf32>,
      }
      %scan3A_28 = arith.constant 50 : i32
      %mul3A_29 = arith.constant 3200 : i32
      %mul3A_30 = arith.muli %add3A_17, %mul3A_29 : i32
      "tpu.region"() ({
        %run_scoped3A = tpu.sem_alloc : memref<!tpu.dma_semaphore, #tpu.memory_space<semaphore_mem>>
        %dma_start3A = tpu.memref_slice %arg5[%mul3A_30] : memref<640000xf32, #tpu.memory_space<hbm>> -> memref<3200xf32, #tpu.memory_space<hbm>>
        %dma_start3A_33 = tpu.memref_slice %arg5[%mul3A_30] : memref<640000xf32, #tpu.memory_space<hbm>> -> memref<3200xf32, #tpu.memory_space<hbm>>
        tpu.enqueue_dma source(%arg10 : memref<3200xf32, #tpu.memory_space<vmem>>) target(%dma_start3A_33 : memref<3200xf32, #tpu.memory_space<hbm>>) target_semaphore(%run_scoped3A : memref<!tpu.dma_semaphore, #tpu.memory_space<semaphore_mem>>)
        %dma_wait3A = tpu.memref_slice %arg5[%mul3A_30] : memref<640000xf32, #tpu.memory_space<hbm>> -> memref<3200xf32, #tpu.memory_space<hbm>>
        %dma_wait3A_34 = tpu.memref_slice %arg5[%mul3A_30] : memref<640000xf32, #tpu.memory_space<hbm>> -> memref<3200xf32, #tpu.memory_space<hbm>>
        tpu.wait_dma2 semaphore(%run_scoped3A : memref<!tpu.dma_semaphore, #tpu.memory_space<semaphore_mem>>) src(%arg10 : memref<3200xf32, #tpu.memory_space<vmem>>) dst(%dma_wait3A_34 : memref<3200xf32, #tpu.memory_space<hbm>>)
        tpu.yield
      }) : () -> ()
      %mul3A_31 = arith.constant 800 : i32
      %mul3A_32 = arith.muli %add3A_17, %mul3A_31 : i32
      "tpu.region"() ({
        %run_scoped3A = tpu.sem_alloc : memref<!tpu.dma_semaphore, #tpu.memory_space<semaphore_mem>>
        %dma_start3A = tpu.memref_slice %arg6[%mul3A_32] : memref<160000xf32, #tpu.memory_space<hbm>> -> memref<800xf32, #tpu.memory_space<hbm>>
        %dma_start3A_33 = tpu.memref_slice %arg6[%mul3A_32] : memref<160000xf32, #tpu.memory_space<hbm>> -> memref<800xf32, #tpu.memory_space<hbm>>
        tpu.enqueue_dma source(%arg11 : memref<800xf32, #tpu.memory_space<vmem>>) target(%dma_start3A_33 : memref<800xf32, #tpu.memory_space<hbm>>) target_semaphore(%run_scoped3A : memref<!tpu.dma_semaphore, #tpu.memory_space<semaphore_mem>>)
        %dma_wait3A = tpu.memref_slice %arg6[%mul3A_32] : memref<160000xf32, #tpu.memory_space<hbm>> -> memref<800xf32, #tpu.memory_space<hbm>>
        %dma_wait3A_34 = tpu.memref_slice %arg6[%mul3A_32] : memref<160000xf32, #tpu.memory_space<hbm>> -> memref<800xf32, #tpu.memory_space<hbm>>
        tpu.wait_dma2 semaphore(%run_scoped3A : memref<!tpu.dma_semaphore, #tpu.memory_space<semaphore_mem>>) src(%arg11 : memref<800xf32, #tpu.memory_space<vmem>>) dst(%dma_wait3A_34 : memref<800xf32, #tpu.memory_space<hbm>>)
        tpu.yield
      }) : () -> ()
    }
    %while3A_13 = arith.constant 1 : i32
    scf.for %while3A_14 = %while3A_11 to %while3A_7 step %while3A_13  : i32 {
      %mul3A_15 = arith.constant 32 : i32
      %mul3A_16 = arith.muli %while3A_14, %mul3A_15 : i32
      %add3A_17 = arith.addi %add3A, %mul3A_16 : i32
      %mul3A_18 = arith.constant 22400 : i32
      %mul3A_19 = arith.muli %add3A_17, %mul3A_18 : i32
      "tpu.region"() ({
        %run_scoped3A = tpu.sem_alloc : memref<!tpu.dma_semaphore, #tpu.memory_space<semaphore_mem>>
        %dma_start3A = tpu.memref_slice %arg2[%mul3A_19] : memref<4480000xf32, #tpu.memory_space<hbm>> -> memref<22400xf32, #tpu.memory_space<hbm>>
        %dma_start3A_33 = tpu.memref_slice %arg2[%mul3A_19] : memref<4480000xf32, #tpu.memory_space<hbm>> -> memref<22400xf32, #tpu.memory_space<hbm>>
        tpu.enqueue_dma source(%dma_start3A_33 : memref<22400xf32, #tpu.memory_space<hbm>>) target(%arg7 : memref<22400xf32, #tpu.memory_space<vmem>>) target_semaphore(%run_scoped3A : memref<!tpu.dma_semaphore, #tpu.memory_space<semaphore_mem>>)
        %dma_wait3A = tpu.memref_slice %arg2[%mul3A_19] : memref<4480000xf32, #tpu.memory_space<hbm>> -> memref<22400xf32, #tpu.memory_space<hbm>>
        %dma_wait3A_34 = tpu.memref_slice %arg2[%mul3A_19] : memref<4480000xf32, #tpu.memory_space<hbm>> -> memref<22400xf32, #tpu.memory_space<hbm>>
        tpu.wait_dma2 semaphore(%run_scoped3A : memref<!tpu.dma_semaphore, #tpu.memory_space<semaphore_mem>>) src(%dma_wait3A_34 : memref<22400xf32, #tpu.memory_space<hbm>>) dst(%arg7 : memref<22400xf32, #tpu.memory_space<vmem>>)
        tpu.yield
      }) : () -> ()
      %mul3A_20 = arith.constant 22400 : i32
      %mul3A_21 = arith.muli %add3A_17, %mul3A_20 : i32
      "tpu.region"() ({
        %run_scoped3A = tpu.sem_alloc : memref<!tpu.dma_semaphore, #tpu.memory_space<semaphore_mem>>
        %dma_start3A = tpu.memref_slice %arg3[%mul3A_21] : memref<4480000xf32, #tpu.memory_space<hbm>> -> memref<22400xf32, #tpu.memory_space<hbm>>
        %dma_start3A_33 = tpu.memref_slice %arg3[%mul3A_21] : memref<4480000xf32, #tpu.memory_space<hbm>> -> memref<22400xf32, #tpu.memory_space<hbm>>
        tpu.enqueue_dma source(%dma_start3A_33 : memref<22400xf32, #tpu.memory_space<hbm>>) target(%arg8 : memref<22400xf32, #tpu.memory_space<vmem>>) target_semaphore(%run_scoped3A : memref<!tpu.dma_semaphore, #tpu.memory_space<semaphore_mem>>)
        %dma_wait3A = tpu.memref_slice %arg3[%mul3A_21] : memref<4480000xf32, #tpu.memory_space<hbm>> -> memref<22400xf32, #tpu.memory_space<hbm>>
        %dma_wait3A_34 = tpu.memref_slice %arg3[%mul3A_21] : memref<4480000xf32, #tpu.memory_space<hbm>> -> memref<22400xf32, #tpu.memory_space<hbm>>
        tpu.wait_dma2 semaphore(%run_scoped3A : memref<!tpu.dma_semaphore, #tpu.memory_space<semaphore_mem>>) src(%dma_wait3A_34 : memref<22400xf32, #tpu.memory_space<hbm>>) dst(%arg8 : memref<22400xf32, #tpu.memory_space<vmem>>)
        tpu.yield
      }) : () -> ()
      %mul3A_22 = arith.constant 3200 : i32
      %mul3A_23 = arith.muli %add3A_17, %mul3A_22 : i32
      "tpu.region"() ({
        %run_scoped3A = tpu.sem_alloc : memref<!tpu.dma_semaphore, #tpu.memory_space<semaphore_mem>>
        %dma_start3A = tpu.memref_slice %arg4[%mul3A_23] : memref<640000xf32, #tpu.memory_space<hbm>> -> memref<3200xf32, #tpu.memory_space<hbm>>
        %dma_start3A_33 = tpu.memref_slice %arg4[%mul3A_23] : memref<640000xf32, #tpu.memory_space<hbm>> -> memref<3200xf32, #tpu.memory_space<hbm>>
        tpu.enqueue_dma source(%dma_start3A_33 : memref<3200xf32, #tpu.memory_space<hbm>>) target(%arg9 : memref<3200xf32, #tpu.memory_space<vmem>>) target_semaphore(%run_scoped3A : memref<!tpu.dma_semaphore, #tpu.memory_space<semaphore_mem>>)
        %dma_wait3A = tpu.memref_slice %arg4[%mul3A_23] : memref<640000xf32, #tpu.memory_space<hbm>> -> memref<3200xf32, #tpu.memory_space<hbm>>
        %dma_wait3A_34 = tpu.memref_slice %arg4[%mul3A_23] : memref<640000xf32, #tpu.memory_space<hbm>> -> memref<3200xf32, #tpu.memory_space<hbm>>
        tpu.wait_dma2 semaphore(%run_scoped3A : memref<!tpu.dma_semaphore, #tpu.memory_space<semaphore_mem>>) src(%dma_wait3A_34 : memref<3200xf32, #tpu.memory_space<hbm>>) dst(%arg9 : memref<3200xf32, #tpu.memory_space<vmem>>)
        tpu.yield
      }) : () -> ()
      %scan3A = arith.constant 0 : i32
      %scan3A_24 = arith.constant 0 : i32
      %scan3A_25 = arith.constant 50 : i32
      %scan3A_26 = arith.addi %scan3A_24, %scan3A_25 : i32
      %scan3A_27 = arith.constant 1 : i32
      scf.for %scan3A_33 = %scan3A_24 to %scan3A_26 step %scan3A_27  : i32 {
        %mul3A_34 = arith.constant 16 : i32
        %mul3A_35 = arith.muli %scan3A_33, %mul3A_34 : i32
        %add3A_36 = arith.constant 0 : i32
        %add3A_37 = arith.addi %add3A_36, %mul3A_35 : i32
        %get3A = arith.index_cast %add3A_37 : i32 to index
        %get3A_38 = tpu.vector_load %arg7[%get3A] {strides = array<i32>} : memref<22400xf32, #tpu.memory_space<vmem>>, vector<16xf32>,
        %add3A_39 = arith.constant 800 : i32
        %add3A_40 = arith.addi %add3A_39, %mul3A_35 : i32
        %get3A_41 = arith.index_cast %add3A_40 : i32 to index
        %get3A_42 = tpu.vector_load %arg7[%get3A_41] {strides = array<i32>} : memref<22400xf32, #tpu.memory_space<vmem>>, vector<16xf32>,
        %add3A_43 = arith.constant 1600 : i32
        %add3A_44 = arith.addi %add3A_43, %mul3A_35 : i32
        %get3A_45 = arith.index_cast %add3A_44 : i32 to index
        %get3A_46 = tpu.vector_load %arg7[%get3A_45] {strides = array<i32>} : memref<22400xf32, #tpu.memory_space<vmem>>, vector<16xf32>,
        %add3A_47 = arith.constant 2400 : i32
        %add3A_48 = arith.addi %add3A_47, %mul3A_35 : i32
        %get3A_49 = arith.index_cast %add3A_48 : i32 to index
        %get3A_50 = tpu.vector_load %arg7[%get3A_49] {strides = array<i32>} : memref<22400xf32, #tpu.memory_space<vmem>>, vector<16xf32>,
        %add3A_51 = arith.constant 3200 : i32
        %add3A_52 = arith.addi %add3A_51, %mul3A_35 : i32
        %get3A_53 = arith.index_cast %add3A_52 : i32 to index
        %get3A_54 = tpu.vector_load %arg7[%get3A_53] {strides = array<i32>} : memref<22400xf32, #tpu.memory_space<vmem>>, vector<16xf32>,
        %add3A_55 = arith.constant 4000 : i32
        %add3A_56 = arith.addi %add3A_55, %mul3A_35 : i32
        %get3A_57 = arith.index_cast %add3A_56 : i32 to index
        %get3A_58 = tpu.vector_load %arg7[%get3A_57] {strides = array<i32>} : memref<22400xf32, #tpu.memory_space<vmem>>, vector<16xf32>,
        %add3A_59 = arith.constant 4800 : i32
        %add3A_60 = arith.addi %add3A_59, %mul3A_35 : i32
        %get3A_61 = arith.index_cast %add3A_60 : i32 to index
        %get3A_62 = tpu.vector_load %arg7[%get3A_61] {strides = array<i32>} : memref<22400xf32, #tpu.memory_space<vmem>>, vector<16xf32>,
        %broadcast_in_dim3A = arith.constant 0.000000e+00 : f32
        %broadcast_in_dim3A_63 = vector.broadcast %broadcast_in_dim3A : f32 to vector<16xf32>
        %broadcast_in_dim3A_64 = arith.constant 0xFF800000 : f32
        %broadcast_in_dim3A_65 = vector.broadcast %broadcast_in_dim3A_64 : f32 to vector<16xf32>
        %broadcast_in_dim3A_66 = arith.constant 0.000000e+00 : f32
        %broadcast_in_dim3A_67 = vector.broadcast %broadcast_in_dim3A_66 : f32 to vector<16xf32>
        %gt3A = arith.cmpf ogt, %get3A_42, %get3A_38 : vector<16xf32>
        %gt3A_68 = arith.cmpf ogt, %get3A_42, %broadcast_in_dim3A_65 : vector<16xf32>
        %select_n3A_69 = arith.select %gt3A_68, %get3A_42, %broadcast_in_dim3A_65 : vector<16xi1>, vector<16xf32>
        %select_n3A_70 = arith.select %gt3A, %get3A_38, %select_n3A_69 : vector<16xi1>, vector<16xf32>
        %jit3A_71 = arith.constant 1.000000e+00 : f32
        %broadcast_in_dim3A_72 = vector.broadcast %jit3A_71 : f32 to vector<16xf32>
        %select_n3A_73 = arith.select %gt3A_68, %broadcast_in_dim3A_72, %broadcast_in_dim3A_67 : vector<16xi1>, vector<16xf32>
        %select_n3A_74 = arith.select %gt3A, %broadcast_in_dim3A_63, %select_n3A_73 : vector<16xi1>, vector<16xf32>
        %select_n3A_75 = arith.select %gt3A, %get3A_42, %get3A_38 : vector<16xi1>, vector<16xf32>
        %jit3A_76 = arith.constant 1.000000e+00 : f32
        %broadcast_in_dim3A_77 = vector.broadcast %jit3A_76 : f32 to vector<16xf32>
        %select_n3A_78 = arith.select %gt3A, %broadcast_in_dim3A_77, %broadcast_in_dim3A_63 : vector<16xi1>, vector<16xf32>
        %gt3A_79 = arith.cmpf ogt, %get3A_46, %select_n3A_75 : vector<16xf32>
        %gt3A_80 = arith.cmpf ogt, %get3A_46, %select_n3A_70 : vector<16xf32>
        %select_n3A_81 = arith.select %gt3A_80, %get3A_46, %select_n3A_70 : vector<16xi1>, vector<16xf32>
        %select_n3A_82 = arith.select %gt3A_79, %select_n3A_75, %select_n3A_81 : vector<16xi1>, vector<16xf32>
        %jit3A_83 = arith.constant 2.000000e+00 : f32
        %broadcast_in_dim3A_84 = vector.broadcast %jit3A_83 : f32 to vector<16xf32>
        %select_n3A_85 = arith.select %gt3A_80, %broadcast_in_dim3A_84, %select_n3A_74 : vector<16xi1>, vector<16xf32>
        %select_n3A_86 = arith.select %gt3A_79, %select_n3A_78, %select_n3A_85 : vector<16xi1>, vector<16xf32>
        %select_n3A_87 = arith.select %gt3A_79, %get3A_46, %select_n3A_75 : vector<16xi1>, vector<16xf32>
        %jit3A_88 = arith.constant 2.000000e+00 : f32
        %broadcast_in_dim3A_89 = vector.broadcast %jit3A_88 : f32 to vector<16xf32>
        %select_n3A_90 = arith.select %gt3A_79, %broadcast_in_dim3A_89, %select_n3A_78 : vector<16xi1>, vector<16xf32>
        %gt3A_91 = arith.cmpf ogt, %get3A_50, %select_n3A_87 : vector<16xf32>
        %gt3A_92 = arith.cmpf ogt, %get3A_50, %select_n3A_82 : vector<16xf32>
        %select_n3A_93 = arith.select %gt3A_92, %get3A_50, %select_n3A_82 : vector<16xi1>, vector<16xf32>
        %select_n3A_94 = arith.select %gt3A_91, %select_n3A_87, %select_n3A_93 : vector<16xi1>, vector<16xf32>
        %jit3A_95 = arith.constant 3.000000e+00 : f32
        %broadcast_in_dim3A_96 = vector.broadcast %jit3A_95 : f32 to vector<16xf32>
        %select_n3A_97 = arith.select %gt3A_92, %broadcast_in_dim3A_96, %select_n3A_86 : vector<16xi1>, vector<16xf32>
        %select_n3A_98 = arith.select %gt3A_91, %select_n3A_90, %select_n3A_97 : vector<16xi1>, vector<16xf32>
        %select_n3A_99 = arith.select %gt3A_91, %get3A_50, %select_n3A_87 : vector<16xi1>, vector<16xf32>
        %jit3A_100 = arith.constant 3.000000e+00 : f32
        %broadcast_in_dim3A_101 = vector.broadcast %jit3A_100 : f32 to vector<16xf32>
        %select_n3A_102 = arith.select %gt3A_91, %broadcast_in_dim3A_101, %select_n3A_90 : vector<16xi1>, vector<16xf32>
        %gt3A_103 = arith.cmpf ogt, %get3A_54, %select_n3A_99 : vector<16xf32>
        %gt3A_104 = arith.cmpf ogt, %get3A_54, %select_n3A_94 : vector<16xf32>
        %select_n3A_105 = arith.select %gt3A_104, %get3A_54, %select_n3A_94 : vector<16xi1>, vector<16xf32>
        %select_n3A_106 = arith.select %gt3A_103, %select_n3A_99, %select_n3A_105 : vector<16xi1>, vector<16xf32>
        %jit3A_107 = arith.constant 4.000000e+00 : f32
        %broadcast_in_dim3A_108 = vector.broadcast %jit3A_107 : f32 to vector<16xf32>
        %select_n3A_109 = arith.select %gt3A_104, %broadcast_in_dim3A_108, %select_n3A_98 : vector<16xi1>, vector<16xf32>
        %select_n3A_110 = arith.select %gt3A_103, %select_n3A_102, %select_n3A_109 : vector<16xi1>, vector<16xf32>
        %select_n3A_111 = arith.select %gt3A_103, %get3A_54, %select_n3A_99 : vector<16xi1>, vector<16xf32>
        %jit3A_112 = arith.constant 4.000000e+00 : f32
        %broadcast_in_dim3A_113 = vector.broadcast %jit3A_112 : f32 to vector<16xf32>
        %select_n3A_114 = arith.select %gt3A_103, %broadcast_in_dim3A_113, %select_n3A_102 : vector<16xi1>, vector<16xf32>
        %gt3A_115 = arith.cmpf ogt, %get3A_58, %select_n3A_111 : vector<16xf32>
        %gt3A_116 = arith.cmpf ogt, %get3A_58, %select_n3A_106 : vector<16xf32>
        %select_n3A_117 = arith.select %gt3A_116, %get3A_58, %select_n3A_106 : vector<16xi1>, vector<16xf32>
        %select_n3A_118 = arith.select %gt3A_115, %select_n3A_111, %select_n3A_117 : vector<16xi1>, vector<16xf32>
        %jit3A_119 = arith.constant 5.000000e+00 : f32
        %broadcast_in_dim3A_120 = vector.broadcast %jit3A_119 : f32 to vector<16xf32>
        %select_n3A_121 = arith.select %gt3A_116, %broadcast_in_dim3A_120, %select_n3A_110 : vector<16xi1>, vector<16xf32>
        %select_n3A_122 = arith.select %gt3A_115, %select_n3A_114, %select_n3A_121 : vector<16xi1>, vector<16xf32>
        %select_n3A_123 = arith.select %gt3A_115, %get3A_58, %select_n3A_111 : vector<16xi1>, vector<16xf32>
        %jit3A_124 = arith.constant 5.000000e+00 : f32
        %broadcast_in_dim3A_125 = vector.broadcast %jit3A_124 : f32 to vector<16xf32>
        %select_n3A_126 = arith.select %gt3A_115, %broadcast_in_dim3A_125, %select_n3A_114 : vector<16xi1>, vector<16xf32>
        %gt3A_127 = arith.cmpf ogt, %get3A_62, %select_n3A_123 : vector<16xf32>
        %gt3A_128 = arith.cmpf ogt, %get3A_62, %select_n3A_118 : vector<16xf32>
        %select_n3A_129 = arith.select %gt3A_128, %get3A_62, %select_n3A_118 : vector<16xi1>, vector<16xf32>
        %select_n3A_130 = arith.select %gt3A_127, %select_n3A_123, %select_n3A_129 : vector<16xi1>, vector<16xf32>
        %jit3A_131 = arith.constant 6.000000e+00 : f32
        %broadcast_in_dim3A_132 = vector.broadcast %jit3A_131 : f32 to vector<16xf32>
        %select_n3A_133 = arith.select %gt3A_128, %broadcast_in_dim3A_132, %select_n3A_122 : vector<16xi1>, vector<16xf32>
        %select_n3A_134 = arith.select %gt3A_127, %select_n3A_126, %select_n3A_133 : vector<16xi1>, vector<16xf32>
        %select_n3A_135 = arith.select %gt3A_127, %get3A_62, %select_n3A_123 : vector<16xi1>, vector<16xf32>
        %jit3A_136 = arith.constant 6.000000e+00 : f32
        %broadcast_in_dim3A_137 = vector.broadcast %jit3A_136 : f32 to vector<16xf32>
        %select_n3A_138 = arith.select %gt3A_127, %broadcast_in_dim3A_137, %select_n3A_126 : vector<16xi1>, vector<16xf32>
        %sub3A = arith.subf %get3A_38, %select_n3A_135 : vector<16xf32>
        %exp3A = math.exp %sub3A : vector<16xf32>
        %sub3A_139 = arith.subf %get3A_42, %select_n3A_135 : vector<16xf32>
        %exp3A_140 = math.exp %sub3A_139 : vector<16xf32>
        %add3A_141 = arith.addf %exp3A, %exp3A_140 : vector<16xf32>
        %sub3A_142 = arith.subf %get3A_46, %select_n3A_135 : vector<16xf32>
        %exp3A_143 = math.exp %sub3A_142 : vector<16xf32>
        %add3A_144 = arith.addf %add3A_141, %exp3A_143 : vector<16xf32>
        %sub3A_145 = arith.subf %get3A_50, %select_n3A_135 : vector<16xf32>
        %exp3A_146 = math.exp %sub3A_145 : vector<16xf32>
        %add3A_147 = arith.addf %add3A_144, %exp3A_146 : vector<16xf32>
        %sub3A_148 = arith.subf %get3A_54, %select_n3A_135 : vector<16xf32>
        %exp3A_149 = math.exp %sub3A_148 : vector<16xf32>
        %add3A_150 = arith.addf %add3A_147, %exp3A_149 : vector<16xf32>
        %sub3A_151 = arith.subf %get3A_58, %select_n3A_135 : vector<16xf32>
        %exp3A_152 = math.exp %sub3A_151 : vector<16xf32>
        %add3A_153 = arith.addf %add3A_150, %exp3A_152 : vector<16xf32>
        %sub3A_154 = arith.subf %get3A_62, %select_n3A_135 : vector<16xf32>
        %exp3A_155 = math.exp %sub3A_154 : vector<16xf32>
        %add3A_156 = arith.addf %add3A_153, %exp3A_155 : vector<16xf32>
        %div3A = arith.constant 1.000000e+00 : f32
        %div3A_157 = vector.broadcast %div3A : f32 to vector<16xf32>
        %div3A_158 = arith.divf %div3A_157, %add3A_156 : vector<16xf32>
        %sub3A_159 = arith.subf %select_n3A_130, %select_n3A_135 : vector<16xf32>
        %exp3A_160 = math.exp %sub3A_159 : vector<16xf32>
        %mul3A_161 = arith.mulf %exp3A_160, %div3A_158 : vector<16xf32>
        %sub3A_162 = arith.subf %select_n3A_138, %select_n3A_134 : vector<16xf32>
        %abs3A = math.absf %sub3A_162 : vector<16xf32>
        %sub3A_163 = arith.constant 1.000000e+00 : f32
        %sub3A_164 = vector.broadcast %sub3A_163 : f32 to vector<16xf32>
        %sub3A_165 = arith.subf %abs3A, %sub3A_164 : vector<16xf32>
        %mul3A_166 = arith.mulf %mul3A_161, %sub3A_165 : vector<16xf32>
        %add3A_167 = arith.addf %div3A_158, %mul3A_166 : vector<16xf32>
        %add3A_168 = vector.broadcast %mul3A_35 : i32 to vector<16xi32>
        %add3A_169 = arith.addi %iota3A, %add3A_168 : vector<16xi32>
        %add3A_170 = arith.constant 0 : i32
        %add3A_171 = vector.broadcast %add3A_170 : i32 to vector<16xi32>
        %add3A_172 = arith.addi %add3A_169, %add3A_171 : vector<16xi32>
        %convert_element_type3A = arith.fptosi %select_n3A_138 : vector<16xf32> to vector<16xi32>
        %mul3A_173 = arith.constant 800 : i32
        %mul3A_174 = vector.broadcast %mul3A_173 : i32 to vector<16xi32>
        %mul3A_175 = arith.muli %convert_element_type3A, %mul3A_174 : vector<16xi32>
        %add3A_176 = arith.addi %add3A_172, %mul3A_175 : vector<16xi32>
        %gather3A = tpu.vector_load_idx %arg8[%add3A_176] : memref<22400xf32, #tpu.memory_space<vmem>>[vector<16xi32>], vector<16xf32>,
        %add3A_177 = arith.constant 5600 : i32
        %add3A_178 = arith.addi %add3A_177, %mul3A_35 : i32
        %get3A_179 = arith.index_cast %add3A_178 : i32 to index
        %get3A_180 = tpu.vector_load %arg7[%get3A_179] {strides = array<i32>} : memref<22400xf32, #tpu.memory_space<vmem>>, vector<16xf32>,
        %add3A_181 = arith.constant 6400 : i32
        %add3A_182 = arith.addi %add3A_181, %mul3A_35 : i32
        %get3A_183 = arith.index_cast %add3A_182 : i32 to index
        %get3A_184 = tpu.vector_load %arg7[%get3A_183] {strides = array<i32>} : memref<22400xf32, #tpu.memory_space<vmem>>, vector<16xf32>,
        %add3A_185 = arith.constant 7200 : i32
        %add3A_186 = arith.addi %add3A_185, %mul3A_35 : i32
        %get3A_187 = arith.index_cast %add3A_186 : i32 to index
        %get3A_188 = tpu.vector_load %arg7[%get3A_187] {strides = array<i32>} : memref<22400xf32, #tpu.memory_space<vmem>>, vector<16xf32>,
        %add3A_189 = arith.constant 8000 : i32
        %add3A_190 = arith.addi %add3A_189, %mul3A_35 : i32
        %get3A_191 = arith.index_cast %add3A_190 : i32 to index
        %get3A_192 = tpu.vector_load %arg7[%get3A_191] {strides = array<i32>} : memref<22400xf32, #tpu.memory_space<vmem>>, vector<16xf32>,
        %add3A_193 = arith.constant 8800 : i32
        %add3A_194 = arith.addi %add3A_193, %mul3A_35 : i32
        %get3A_195 = arith.index_cast %add3A_194 : i32 to index
        %get3A_196 = tpu.vector_load %arg7[%get3A_195] {strides = array<i32>} : memref<22400xf32, #tpu.memory_space<vmem>>, vector<16xf32>,
        %add3A_197 = arith.constant 9600 : i32
        %add3A_198 = arith.addi %add3A_197, %mul3A_35 : i32
        %get3A_199 = arith.index_cast %add3A_198 : i32 to index
        %get3A_200 = tpu.vector_load %arg7[%get3A_199] {strides = array<i32>} : memref<22400xf32, #tpu.memory_space<vmem>>, vector<16xf32>,
        %add3A_201 = arith.constant 10400 : i32
        %add3A_202 = arith.addi %add3A_201, %mul3A_35 : i32
        %get3A_203 = arith.index_cast %add3A_202 : i32 to index
        %get3A_204 = tpu.vector_load %arg7[%get3A_203] {strides = array<i32>} : memref<22400xf32, #tpu.memory_space<vmem>>, vector<16xf32>,
        %broadcast_in_dim3A_205 = arith.constant 0.000000e+00 : f32
        %broadcast_in_dim3A_206 = vector.broadcast %broadcast_in_dim3A_205 : f32 to vector<16xf32>
        %broadcast_in_dim3A_207 = arith.constant 0xFF800000 : f32
        %broadcast_in_dim3A_208 = vector.broadcast %broadcast_in_dim3A_207 : f32 to vector<16xf32>
        %broadcast_in_dim3A_209 = arith.constant 0.000000e+00 : f32
        %broadcast_in_dim3A_210 = vector.broadcast %broadcast_in_dim3A_209 : f32 to vector<16xf32>
        %gt3A_211 = arith.cmpf ogt, %get3A_184, %get3A_180 : vector<16xf32>
        %gt3A_212 = arith.cmpf ogt, %get3A_184, %broadcast_in_dim3A_208 : vector<16xf32>
        %select_n3A_213 = arith.select %gt3A_212, %get3A_184, %broadcast_in_dim3A_208 : vector<16xi1>, vector<16xf32>
        %select_n3A_214 = arith.select %gt3A_211, %get3A_180, %select_n3A_213 : vector<16xi1>, vector<16xf32>
        %jit3A_215 = arith.constant 1.000000e+00 : f32
        %broadcast_in_dim3A_216 = vector.broadcast %jit3A_215 : f32 to vector<16xf32>
        %select_n3A_217 = arith.select %gt3A_212, %broadcast_in_dim3A_216, %broadcast_in_dim3A_210 : vector<16xi1>, vector<16xf32>
        %select_n3A_218 = arith.select %gt3A_211, %broadcast_in_dim3A_206, %select_n3A_217 : vector<16xi1>, vector<16xf32>
        %select_n3A_219 = arith.select %gt3A_211, %get3A_184, %get3A_180 : vector<16xi1>, vector<16xf32>
        %jit3A_220 = arith.constant 1.000000e+00 : f32
        %broadcast_in_dim3A_221 = vector.broadcast %jit3A_220 : f32 to vector<16xf32>
        %select_n3A_222 = arith.select %gt3A_211, %broadcast_in_dim3A_221, %broadcast_in_dim3A_206 : vector<16xi1>, vector<16xf32>
        %gt3A_223 = arith.cmpf ogt, %get3A_188, %select_n3A_219 : vector<16xf32>
        %gt3A_224 = arith.cmpf ogt, %get3A_188, %select_n3A_214 : vector<16xf32>
        %select_n3A_225 = arith.select %gt3A_224, %get3A_188, %select_n3A_214 : vector<16xi1>, vector<16xf32>
        %select_n3A_226 = arith.select %gt3A_223, %select_n3A_219, %select_n3A_225 : vector<16xi1>, vector<16xf32>
        %jit3A_227 = arith.constant 2.000000e+00 : f32
        %broadcast_in_dim3A_228 = vector.broadcast %jit3A_227 : f32 to vector<16xf32>
        %select_n3A_229 = arith.select %gt3A_224, %broadcast_in_dim3A_228, %select_n3A_218 : vector<16xi1>, vector<16xf32>
        %select_n3A_230 = arith.select %gt3A_223, %select_n3A_222, %select_n3A_229 : vector<16xi1>, vector<16xf32>
        %select_n3A_231 = arith.select %gt3A_223, %get3A_188, %select_n3A_219 : vector<16xi1>, vector<16xf32>
        %jit3A_232 = arith.constant 2.000000e+00 : f32
        %broadcast_in_dim3A_233 = vector.broadcast %jit3A_232 : f32 to vector<16xf32>
        %select_n3A_234 = arith.select %gt3A_223, %broadcast_in_dim3A_233, %select_n3A_222 : vector<16xi1>, vector<16xf32>
        %gt3A_235 = arith.cmpf ogt, %get3A_192, %select_n3A_231 : vector<16xf32>
        %gt3A_236 = arith.cmpf ogt, %get3A_192, %select_n3A_226 : vector<16xf32>
        %select_n3A_237 = arith.select %gt3A_236, %get3A_192, %select_n3A_226 : vector<16xi1>, vector<16xf32>
        %select_n3A_238 = arith.select %gt3A_235, %select_n3A_231, %select_n3A_237 : vector<16xi1>, vector<16xf32>
        %jit3A_239 = arith.constant 3.000000e+00 : f32
        %broadcast_in_dim3A_240 = vector.broadcast %jit3A_239 : f32 to vector<16xf32>
        %select_n3A_241 = arith.select %gt3A_236, %broadcast_in_dim3A_240, %select_n3A_230 : vector<16xi1>, vector<16xf32>
        %select_n3A_242 = arith.select %gt3A_235, %select_n3A_234, %select_n3A_241 : vector<16xi1>, vector<16xf32>
        %select_n3A_243 = arith.select %gt3A_235, %get3A_192, %select_n3A_231 : vector<16xi1>, vector<16xf32>
        %jit3A_244 = arith.constant 3.000000e+00 : f32
        %broadcast_in_dim3A_245 = vector.broadcast %jit3A_244 : f32 to vector<16xf32>
        %select_n3A_246 = arith.select %gt3A_235, %broadcast_in_dim3A_245, %select_n3A_234 : vector<16xi1>, vector<16xf32>
        %gt3A_247 = arith.cmpf ogt, %get3A_196, %select_n3A_243 : vector<16xf32>
        %gt3A_248 = arith.cmpf ogt, %get3A_196, %select_n3A_238 : vector<16xf32>
        %select_n3A_249 = arith.select %gt3A_248, %get3A_196, %select_n3A_238 : vector<16xi1>, vector<16xf32>
        %select_n3A_250 = arith.select %gt3A_247, %select_n3A_243, %select_n3A_249 : vector<16xi1>, vector<16xf32>
        %jit3A_251 = arith.constant 4.000000e+00 : f32
        %broadcast_in_dim3A_252 = vector.broadcast %jit3A_251 : f32 to vector<16xf32>
        %select_n3A_253 = arith.select %gt3A_248, %broadcast_in_dim3A_252, %select_n3A_242 : vector<16xi1>, vector<16xf32>
        %select_n3A_254 = arith.select %gt3A_247, %select_n3A_246, %select_n3A_253 : vector<16xi1>, vector<16xf32>
        %select_n3A_255 = arith.select %gt3A_247, %get3A_196, %select_n3A_243 : vector<16xi1>, vector<16xf32>
        %jit3A_256 = arith.constant 4.000000e+00 : f32
        %broadcast_in_dim3A_257 = vector.broadcast %jit3A_256 : f32 to vector<16xf32>
        %select_n3A_258 = arith.select %gt3A_247, %broadcast_in_dim3A_257, %select_n3A_246 : vector<16xi1>, vector<16xf32>
        %gt3A_259 = arith.cmpf ogt, %get3A_200, %select_n3A_255 : vector<16xf32>
        %gt3A_260 = arith.cmpf ogt, %get3A_200, %select_n3A_250 : vector<16xf32>
        %select_n3A_261 = arith.select %gt3A_260, %get3A_200, %select_n3A_250 : vector<16xi1>, vector<16xf32>
        %select_n3A_262 = arith.select %gt3A_259, %select_n3A_255, %select_n3A_261 : vector<16xi1>, vector<16xf32>
        %jit3A_263 = arith.constant 5.000000e+00 : f32
        %broadcast_in_dim3A_264 = vector.broadcast %jit3A_263 : f32 to vector<16xf32>
        %select_n3A_265 = arith.select %gt3A_260, %broadcast_in_dim3A_264, %select_n3A_254 : vector<16xi1>, vector<16xf32>
        %select_n3A_266 = arith.select %gt3A_259, %select_n3A_258, %select_n3A_265 : vector<16xi1>, vector<16xf32>
        %select_n3A_267 = arith.select %gt3A_259, %get3A_200, %select_n3A_255 : vector<16xi1>, vector<16xf32>
        %jit3A_268 = arith.constant 5.000000e+00 : f32
        %broadcast_in_dim3A_269 = vector.broadcast %jit3A_268 : f32 to vector<16xf32>
        %select_n3A_270 = arith.select %gt3A_259, %broadcast_in_dim3A_269, %select_n3A_258 : vector<16xi1>, vector<16xf32>
        %gt3A_271 = arith.cmpf ogt, %get3A_204, %select_n3A_267 : vector<16xf32>
        %gt3A_272 = arith.cmpf ogt, %get3A_204, %select_n3A_262 : vector<16xf32>
        %select_n3A_273 = arith.select %gt3A_272, %get3A_204, %select_n3A_262 : vector<16xi1>, vector<16xf32>
        %select_n3A_274 = arith.select %gt3A_271, %select_n3A_267, %select_n3A_273 : vector<16xi1>, vector<16xf32>
        %jit3A_275 = arith.constant 6.000000e+00 : f32
        %broadcast_in_dim3A_276 = vector.broadcast %jit3A_275 : f32 to vector<16xf32>
        %select_n3A_277 = arith.select %gt3A_272, %broadcast_in_dim3A_276, %select_n3A_266 : vector<16xi1>, vector<16xf32>
        %select_n3A_278 = arith.select %gt3A_271, %select_n3A_270, %select_n3A_277 : vector<16xi1>, vector<16xf32>
        %select_n3A_279 = arith.select %gt3A_271, %get3A_204, %select_n3A_267 : vector<16xi1>, vector<16xf32>
        %jit3A_280 = arith.constant 6.000000e+00 : f32
        %broadcast_in_dim3A_281 = vector.broadcast %jit3A_280 : f32 to vector<16xf32>
        %select_n3A_282 = arith.select %gt3A_271, %broadcast_in_dim3A_281, %select_n3A_270 : vector<16xi1>, vector<16xf32>
        %sub3A_283 = arith.subf %get3A_180, %select_n3A_279 : vector<16xf32>
        %exp3A_284 = math.exp %sub3A_283 : vector<16xf32>
        %sub3A_285 = arith.subf %get3A_184, %select_n3A_279 : vector<16xf32>
        %exp3A_286 = math.exp %sub3A_285 : vector<16xf32>
        %add3A_287 = arith.addf %exp3A_284, %exp3A_286 : vector<16xf32>
        %sub3A_288 = arith.subf %get3A_188, %select_n3A_279 : vector<16xf32>
        %exp3A_289 = math.exp %sub3A_288 : vector<16xf32>
        %add3A_290 = arith.addf %add3A_287, %exp3A_289 : vector<16xf32>
        %sub3A_291 = arith.subf %get3A_192, %select_n3A_279 : vector<16xf32>
        %exp3A_292 = math.exp %sub3A_291 : vector<16xf32>
        %add3A_293 = arith.addf %add3A_290, %exp3A_292 : vector<16xf32>
        %sub3A_294 = arith.subf %get3A_196, %select_n3A_279 : vector<16xf32>
        %exp3A_295 = math.exp %sub3A_294 : vector<16xf32>
        %add3A_296 = arith.addf %add3A_293, %exp3A_295 : vector<16xf32>
        %sub3A_297 = arith.subf %get3A_200, %select_n3A_279 : vector<16xf32>
        %exp3A_298 = math.exp %sub3A_297 : vector<16xf32>
        %add3A_299 = arith.addf %add3A_296, %exp3A_298 : vector<16xf32>
        %sub3A_300 = arith.subf %get3A_204, %select_n3A_279 : vector<16xf32>
        %exp3A_301 = math.exp %sub3A_300 : vector<16xf32>
        %add3A_302 = arith.addf %add3A_299, %exp3A_301 : vector<16xf32>
        %div3A_303 = arith.constant 1.000000e+00 : f32
        %div3A_304 = vector.broadcast %div3A_303 : f32 to vector<16xf32>
        %div3A_305 = arith.divf %div3A_304, %add3A_302 : vector<16xf32>
        %sub3A_306 = arith.subf %select_n3A_274, %select_n3A_279 : vector<16xf32>
        %exp3A_307 = math.exp %sub3A_306 : vector<16xf32>
        %mul3A_308 = arith.mulf %exp3A_307, %div3A_305 : vector<16xf32>
        %sub3A_309 = arith.subf %select_n3A_282, %select_n3A_278 : vector<16xf32>
        %abs3A_310 = math.absf %sub3A_309 : vector<16xf32>
        %sub3A_311 = arith.constant 1.000000e+00 : f32
        %sub3A_312 = vector.broadcast %sub3A_311 : f32 to vector<16xf32>
        %sub3A_313 = arith.subf %abs3A_310, %sub3A_312 : vector<16xf32>
        %mul3A_314 = arith.mulf %mul3A_308, %sub3A_313 : vector<16xf32>
        %add3A_315 = arith.addf %div3A_305, %mul3A_314 : vector<16xf32>
        %add3A_316 = vector.broadcast %mul3A_35 : i32 to vector<16xi32>
        %add3A_317 = arith.addi %iota3A, %add3A_316 : vector<16xi32>
        %add3A_318 = arith.constant 5600 : i32
        %add3A_319 = vector.broadcast %add3A_318 : i32 to vector<16xi32>
        %add3A_320 = arith.addi %add3A_317, %add3A_319 : vector<16xi32>
        %convert_element_type3A_321 = arith.fptosi %select_n3A_282 : vector<16xf32> to vector<16xi32>
        %mul3A_322 = arith.constant 800 : i32
        %mul3A_323 = vector.broadcast %mul3A_322 : i32 to vector<16xi32>
        %mul3A_324 = arith.muli %convert_element_type3A_321, %mul3A_323 : vector<16xi32>
        %add3A_325 = arith.addi %add3A_320, %mul3A_324 : vector<16xi32>
        %gather3A_326 = tpu.vector_load_idx %arg8[%add3A_325] : memref<22400xf32, #tpu.memory_space<vmem>>[vector<16xi32>], vector<16xf32>,
        %add3A_327 = arith.constant 11200 : i32
        %add3A_328 = arith.addi %add3A_327, %mul3A_35 : i32
        %get3A_329 = arith.index_cast %add3A_328 : i32 to index
        %get3A_330 = tpu.vector_load %arg7[%get3A_329] {strides = array<i32>} : memref<22400xf32, #tpu.memory_space<vmem>>, vector<16xf32>,
        %add3A_331 = arith.constant 12000 : i32
        %add3A_332 = arith.addi %add3A_331, %mul3A_35 : i32
        %get3A_333 = arith.index_cast %add3A_332 : i32 to index
        %get3A_334 = tpu.vector_load %arg7[%get3A_333] {strides = array<i32>} : memref<22400xf32, #tpu.memory_space<vmem>>, vector<16xf32>,
        %add3A_335 = arith.constant 12800 : i32
        %add3A_336 = arith.addi %add3A_335, %mul3A_35 : i32
        %get3A_337 = arith.index_cast %add3A_336 : i32 to index
        %get3A_338 = tpu.vector_load %arg7[%get3A_337] {strides = array<i32>} : memref<22400xf32, #tpu.memory_space<vmem>>, vector<16xf32>,
        %add3A_339 = arith.constant 13600 : i32
        %add3A_340 = arith.addi %add3A_339, %mul3A_35 : i32
        %get3A_341 = arith.index_cast %add3A_340 : i32 to index
        %get3A_342 = tpu.vector_load %arg7[%get3A_341] {strides = array<i32>} : memref<22400xf32, #tpu.memory_space<vmem>>, vector<16xf32>,
        %add3A_343 = arith.constant 14400 : i32
        %add3A_344 = arith.addi %add3A_343, %mul3A_35 : i32
        %get3A_345 = arith.index_cast %add3A_344 : i32 to index
        %get3A_346 = tpu.vector_load %arg7[%get3A_345] {strides = array<i32>} : memref<22400xf32, #tpu.memory_space<vmem>>, vector<16xf32>,
        %add3A_347 = arith.constant 15200 : i32
        %add3A_348 = arith.addi %add3A_347, %mul3A_35 : i32
        %get3A_349 = arith.index_cast %add3A_348 : i32 to index
        %get3A_350 = tpu.vector_load %arg7[%get3A_349] {strides = array<i32>} : memref<22400xf32, #tpu.memory_space<vmem>>, vector<16xf32>,
        %add3A_351 = arith.constant 16000 : i32
        %add3A_352 = arith.addi %add3A_351, %mul3A_35 : i32
        %get3A_353 = arith.index_cast %add3A_352 : i32 to index
        %get3A_354 = tpu.vector_load %arg7[%get3A_353] {strides = array<i32>} : memref<22400xf32, #tpu.memory_space<vmem>>, vector<16xf32>,
        %broadcast_in_dim3A_355 = arith.constant 0.000000e+00 : f32
        %broadcast_in_dim3A_356 = vector.broadcast %broadcast_in_dim3A_355 : f32 to vector<16xf32>
        %broadcast_in_dim3A_357 = arith.constant 0xFF800000 : f32
        %broadcast_in_dim3A_358 = vector.broadcast %broadcast_in_dim3A_357 : f32 to vector<16xf32>
        %broadcast_in_dim3A_359 = arith.constant 0.000000e+00 : f32
        %broadcast_in_dim3A_360 = vector.broadcast %broadcast_in_dim3A_359 : f32 to vector<16xf32>
        %gt3A_361 = arith.cmpf ogt, %get3A_334, %get3A_330 : vector<16xf32>
        %gt3A_362 = arith.cmpf ogt, %get3A_334, %broadcast_in_dim3A_358 : vector<16xf32>
        %select_n3A_363 = arith.select %gt3A_362, %get3A_334, %broadcast_in_dim3A_358 : vector<16xi1>, vector<16xf32>
        %select_n3A_364 = arith.select %gt3A_361, %get3A_330, %select_n3A_363 : vector<16xi1>, vector<16xf32>
        %jit3A_365 = arith.constant 1.000000e+00 : f32
        %broadcast_in_dim3A_366 = vector.broadcast %jit3A_365 : f32 to vector<16xf32>
        %select_n3A_367 = arith.select %gt3A_362, %broadcast_in_dim3A_366, %broadcast_in_dim3A_360 : vector<16xi1>, vector<16xf32>
        %select_n3A_368 = arith.select %gt3A_361, %broadcast_in_dim3A_356, %select_n3A_367 : vector<16xi1>, vector<16xf32>
        %select_n3A_369 = arith.select %gt3A_361, %get3A_334, %get3A_330 : vector<16xi1>, vector<16xf32>
        %jit3A_370 = arith.constant 1.000000e+00 : f32
        %broadcast_in_dim3A_371 = vector.broadcast %jit3A_370 : f32 to vector<16xf32>
        %select_n3A_372 = arith.select %gt3A_361, %broadcast_in_dim3A_371, %broadcast_in_dim3A_356 : vector<16xi1>, vector<16xf32>
        %gt3A_373 = arith.cmpf ogt, %get3A_338, %select_n3A_369 : vector<16xf32>
        %gt3A_374 = arith.cmpf ogt, %get3A_338, %select_n3A_364 : vector<16xf32>
        %select_n3A_375 = arith.select %gt3A_374, %get3A_338, %select_n3A_364 : vector<16xi1>, vector<16xf32>
        %select_n3A_376 = arith.select %gt3A_373, %select_n3A_369, %select_n3A_375 : vector<16xi1>, vector<16xf32>
        %jit3A_377 = arith.constant 2.000000e+00 : f32
        %broadcast_in_dim3A_378 = vector.broadcast %jit3A_377 : f32 to vector<16xf32>
        %select_n3A_379 = arith.select %gt3A_374, %broadcast_in_dim3A_378, %select_n3A_368 : vector<16xi1>, vector<16xf32>
        %select_n3A_380 = arith.select %gt3A_373, %select_n3A_372, %select_n3A_379 : vector<16xi1>, vector<16xf32>
        %select_n3A_381 = arith.select %gt3A_373, %get3A_338, %select_n3A_369 : vector<16xi1>, vector<16xf32>
        %jit3A_382 = arith.constant 2.000000e+00 : f32
        %broadcast_in_dim3A_383 = vector.broadcast %jit3A_382 : f32 to vector<16xf32>
        %select_n3A_384 = arith.select %gt3A_373, %broadcast_in_dim3A_383, %select_n3A_372 : vector<16xi1>, vector<16xf32>
        %gt3A_385 = arith.cmpf ogt, %get3A_342, %select_n3A_381 : vector<16xf32>
        %gt3A_386 = arith.cmpf ogt, %get3A_342, %select_n3A_376 : vector<16xf32>
        %select_n3A_387 = arith.select %gt3A_386, %get3A_342, %select_n3A_376 : vector<16xi1>, vector<16xf32>
        %select_n3A_388 = arith.select %gt3A_385, %select_n3A_381, %select_n3A_387 : vector<16xi1>, vector<16xf32>
        %jit3A_389 = arith.constant 3.000000e+00 : f32
        %broadcast_in_dim3A_390 = vector.broadcast %jit3A_389 : f32 to vector<16xf32>
        %select_n3A_391 = arith.select %gt3A_386, %broadcast_in_dim3A_390, %select_n3A_380 : vector<16xi1>, vector<16xf32>
        %select_n3A_392 = arith.select %gt3A_385, %select_n3A_384, %select_n3A_391 : vector<16xi1>, vector<16xf32>
        %select_n3A_393 = arith.select %gt3A_385, %get3A_342, %select_n3A_381 : vector<16xi1>, vector<16xf32>
        %jit3A_394 = arith.constant 3.000000e+00 : f32
        %broadcast_in_dim3A_395 = vector.broadcast %jit3A_394 : f32 to vector<16xf32>
        %select_n3A_396 = arith.select %gt3A_385, %broadcast_in_dim3A_395, %select_n3A_384 : vector<16xi1>, vector<16xf32>
        %gt3A_397 = arith.cmpf ogt, %get3A_346, %select_n3A_393 : vector<16xf32>
        %gt3A_398 = arith.cmpf ogt, %get3A_346, %select_n3A_388 : vector<16xf32>
        %select_n3A_399 = arith.select %gt3A_398, %get3A_346, %select_n3A_388 : vector<16xi1>, vector<16xf32>
        %select_n3A_400 = arith.select %gt3A_397, %select_n3A_393, %select_n3A_399 : vector<16xi1>, vector<16xf32>
        %jit3A_401 = arith.constant 4.000000e+00 : f32
        %broadcast_in_dim3A_402 = vector.broadcast %jit3A_401 : f32 to vector<16xf32>
        %select_n3A_403 = arith.select %gt3A_398, %broadcast_in_dim3A_402, %select_n3A_392 : vector<16xi1>, vector<16xf32>
        %select_n3A_404 = arith.select %gt3A_397, %select_n3A_396, %select_n3A_403 : vector<16xi1>, vector<16xf32>
        %select_n3A_405 = arith.select %gt3A_397, %get3A_346, %select_n3A_393 : vector<16xi1>, vector<16xf32>
        %jit3A_406 = arith.constant 4.000000e+00 : f32
        %broadcast_in_dim3A_407 = vector.broadcast %jit3A_406 : f32 to vector<16xf32>
        %select_n3A_408 = arith.select %gt3A_397, %broadcast_in_dim3A_407, %select_n3A_396 : vector<16xi1>, vector<16xf32>
        %gt3A_409 = arith.cmpf ogt, %get3A_350, %select_n3A_405 : vector<16xf32>
        %gt3A_410 = arith.cmpf ogt, %get3A_350, %select_n3A_400 : vector<16xf32>
        %select_n3A_411 = arith.select %gt3A_410, %get3A_350, %select_n3A_400 : vector<16xi1>, vector<16xf32>
        %select_n3A_412 = arith.select %gt3A_409, %select_n3A_405, %select_n3A_411 : vector<16xi1>, vector<16xf32>
        %jit3A_413 = arith.constant 5.000000e+00 : f32
        %broadcast_in_dim3A_414 = vector.broadcast %jit3A_413 : f32 to vector<16xf32>
        %select_n3A_415 = arith.select %gt3A_410, %broadcast_in_dim3A_414, %select_n3A_404 : vector<16xi1>, vector<16xf32>
        %select_n3A_416 = arith.select %gt3A_409, %select_n3A_408, %select_n3A_415 : vector<16xi1>, vector<16xf32>
        %select_n3A_417 = arith.select %gt3A_409, %get3A_350, %select_n3A_405 : vector<16xi1>, vector<16xf32>
        %jit3A_418 = arith.constant 5.000000e+00 : f32
        %broadcast_in_dim3A_419 = vector.broadcast %jit3A_418 : f32 to vector<16xf32>
        %select_n3A_420 = arith.select %gt3A_409, %broadcast_in_dim3A_419, %select_n3A_408 : vector<16xi1>, vector<16xf32>
        %gt3A_421 = arith.cmpf ogt, %get3A_354, %select_n3A_417 : vector<16xf32>
        %gt3A_422 = arith.cmpf ogt, %get3A_354, %select_n3A_412 : vector<16xf32>
        %select_n3A_423 = arith.select %gt3A_422, %get3A_354, %select_n3A_412 : vector<16xi1>, vector<16xf32>
        %select_n3A_424 = arith.select %gt3A_421, %select_n3A_417, %select_n3A_423 : vector<16xi1>, vector<16xf32>
        %jit3A_425 = arith.constant 6.000000e+00 : f32
        %broadcast_in_dim3A_426 = vector.broadcast %jit3A_425 : f32 to vector<16xf32>
        %select_n3A_427 = arith.select %gt3A_422, %broadcast_in_dim3A_426, %select_n3A_416 : vector<16xi1>, vector<16xf32>
        %select_n3A_428 = arith.select %gt3A_421, %select_n3A_420, %select_n3A_427 : vector<16xi1>, vector<16xf32>
        %select_n3A_429 = arith.select %gt3A_421, %get3A_354, %select_n3A_417 : vector<16xi1>, vector<16xf32>
        %jit3A_430 = arith.constant 6.000000e+00 : f32
        %broadcast_in_dim3A_431 = vector.broadcast %jit3A_430 : f32 to vector<16xf32>
        %select_n3A_432 = arith.select %gt3A_421, %broadcast_in_dim3A_431, %select_n3A_420 : vector<16xi1>, vector<16xf32>
        %sub3A_433 = arith.subf %get3A_330, %select_n3A_429 : vector<16xf32>
        %exp3A_434 = math.exp %sub3A_433 : vector<16xf32>
        %sub3A_435 = arith.subf %get3A_334, %select_n3A_429 : vector<16xf32>
        %exp3A_436 = math.exp %sub3A_435 : vector<16xf32>
        %add3A_437 = arith.addf %exp3A_434, %exp3A_436 : vector<16xf32>
        %sub3A_438 = arith.subf %get3A_338, %select_n3A_429 : vector<16xf32>
        %exp3A_439 = math.exp %sub3A_438 : vector<16xf32>
        %add3A_440 = arith.addf %add3A_437, %exp3A_439 : vector<16xf32>
        %sub3A_441 = arith.subf %get3A_342, %select_n3A_429 : vector<16xf32>
        %exp3A_442 = math.exp %sub3A_441 : vector<16xf32>
        %add3A_443 = arith.addf %add3A_440, %exp3A_442 : vector<16xf32>
        %sub3A_444 = arith.subf %get3A_346, %select_n3A_429 : vector<16xf32>
        %exp3A_445 = math.exp %sub3A_444 : vector<16xf32>
        %add3A_446 = arith.addf %add3A_443, %exp3A_445 : vector<16xf32>
        %sub3A_447 = arith.subf %get3A_350, %select_n3A_429 : vector<16xf32>
        %exp3A_448 = math.exp %sub3A_447 : vector<16xf32>
        %add3A_449 = arith.addf %add3A_446, %exp3A_448 : vector<16xf32>
        %sub3A_450 = arith.subf %get3A_354, %select_n3A_429 : vector<16xf32>
        %exp3A_451 = math.exp %sub3A_450 : vector<16xf32>
        %add3A_452 = arith.addf %add3A_449, %exp3A_451 : vector<16xf32>
        %div3A_453 = arith.constant 1.000000e+00 : f32
        %div3A_454 = vector.broadcast %div3A_453 : f32 to vector<16xf32>
        %div3A_455 = arith.divf %div3A_454, %add3A_452 : vector<16xf32>
        %sub3A_456 = arith.subf %select_n3A_424, %select_n3A_429 : vector<16xf32>
        %exp3A_457 = math.exp %sub3A_456 : vector<16xf32>
        %mul3A_458 = arith.mulf %exp3A_457, %div3A_455 : vector<16xf32>
        %sub3A_459 = arith.subf %select_n3A_432, %select_n3A_428 : vector<16xf32>
        %abs3A_460 = math.absf %sub3A_459 : vector<16xf32>
        %sub3A_461 = arith.constant 1.000000e+00 : f32
        %sub3A_462 = vector.broadcast %sub3A_461 : f32 to vector<16xf32>
        %sub3A_463 = arith.subf %abs3A_460, %sub3A_462 : vector<16xf32>
        %mul3A_464 = arith.mulf %mul3A_458, %sub3A_463 : vector<16xf32>
        %add3A_465 = arith.addf %div3A_455, %mul3A_464 : vector<16xf32>
        %add3A_466 = vector.broadcast %mul3A_35 : i32 to vector<16xi32>
        %add3A_467 = arith.addi %iota3A, %add3A_466 : vector<16xi32>
        %add3A_468 = arith.constant 11200 : i32
        %add3A_469 = vector.broadcast %add3A_468 : i32 to vector<16xi32>
        %add3A_470 = arith.addi %add3A_467, %add3A_469 : vector<16xi32>
        %convert_element_type3A_471 = arith.fptosi %select_n3A_432 : vector<16xf32> to vector<16xi32>
        %mul3A_472 = arith.constant 800 : i32
        %mul3A_473 = vector.broadcast %mul3A_472 : i32 to vector<16xi32>
        %mul3A_474 = arith.muli %convert_element_type3A_471, %mul3A_473 : vector<16xi32>
        %add3A_475 = arith.addi %add3A_470, %mul3A_474 : vector<16xi32>
        %gather3A_476 = tpu.vector_load_idx %arg8[%add3A_475] : memref<22400xf32, #tpu.memory_space<vmem>>[vector<16xi32>], vector<16xf32>,
        %add3A_477 = arith.constant 16800 : i32
        %add3A_478 = arith.addi %add3A_477, %mul3A_35 : i32
        %get3A_479 = arith.index_cast %add3A_478 : i32 to index
        %get3A_480 = tpu.vector_load %arg7[%get3A_479] {strides = array<i32>} : memref<22400xf32, #tpu.memory_space<vmem>>, vector<16xf32>,
        %add3A_481 = arith.constant 17600 : i32
        %add3A_482 = arith.addi %add3A_481, %mul3A_35 : i32
        %get3A_483 = arith.index_cast %add3A_482 : i32 to index
        %get3A_484 = tpu.vector_load %arg7[%get3A_483] {strides = array<i32>} : memref<22400xf32, #tpu.memory_space<vmem>>, vector<16xf32>,
        %add3A_485 = arith.constant 18400 : i32
        %add3A_486 = arith.addi %add3A_485, %mul3A_35 : i32
        %get3A_487 = arith.index_cast %add3A_486 : i32 to index
        %get3A_488 = tpu.vector_load %arg7[%get3A_487] {strides = array<i32>} : memref<22400xf32, #tpu.memory_space<vmem>>, vector<16xf32>,
        %add3A_489 = arith.constant 19200 : i32
        %add3A_490 = arith.addi %add3A_489, %mul3A_35 : i32
        %get3A_491 = arith.index_cast %add3A_490 : i32 to index
        %get3A_492 = tpu.vector_load %arg7[%get3A_491] {strides = array<i32>} : memref<22400xf32, #tpu.memory_space<vmem>>, vector<16xf32>,
        %add3A_493 = arith.constant 20000 : i32
        %add3A_494 = arith.addi %add3A_493, %mul3A_35 : i32
        %get3A_495 = arith.index_cast %add3A_494 : i32 to index
        %get3A_496 = tpu.vector_load %arg7[%get3A_495] {strides = array<i32>} : memref<22400xf32, #tpu.memory_space<vmem>>, vector<16xf32>,
        %add3A_497 = arith.constant 20800 : i32
        %add3A_498 = arith.addi %add3A_497, %mul3A_35 : i32
        %get3A_499 = arith.index_cast %add3A_498 : i32 to index
        %get3A_500 = tpu.vector_load %arg7[%get3A_499] {strides = array<i32>} : memref<22400xf32, #tpu.memory_space<vmem>>, vector<16xf32>,
        %add3A_501 = arith.constant 21600 : i32
        %add3A_502 = arith.addi %add3A_501, %mul3A_35 : i32
        %get3A_503 = arith.index_cast %add3A_502 : i32 to index
        %get3A_504 = tpu.vector_load %arg7[%get3A_503] {strides = array<i32>} : memref<22400xf32, #tpu.memory_space<vmem>>, vector<16xf32>,
        %broadcast_in_dim3A_505 = arith.constant 0.000000e+00 : f32
        %broadcast_in_dim3A_506 = vector.broadcast %broadcast_in_dim3A_505 : f32 to vector<16xf32>
        %broadcast_in_dim3A_507 = arith.constant 0xFF800000 : f32
        %broadcast_in_dim3A_508 = vector.broadcast %broadcast_in_dim3A_507 : f32 to vector<16xf32>
        %broadcast_in_dim3A_509 = arith.constant 0.000000e+00 : f32
        %broadcast_in_dim3A_510 = vector.broadcast %broadcast_in_dim3A_509 : f32 to vector<16xf32>
        %gt3A_511 = arith.cmpf ogt, %get3A_484, %get3A_480 : vector<16xf32>
        %gt3A_512 = arith.cmpf ogt, %get3A_484, %broadcast_in_dim3A_508 : vector<16xf32>
        %select_n3A_513 = arith.select %gt3A_512, %get3A_484, %broadcast_in_dim3A_508 : vector<16xi1>, vector<16xf32>
        %select_n3A_514 = arith.select %gt3A_511, %get3A_480, %select_n3A_513 : vector<16xi1>, vector<16xf32>
        %jit3A_515 = arith.constant 1.000000e+00 : f32
        %broadcast_in_dim3A_516 = vector.broadcast %jit3A_515 : f32 to vector<16xf32>
        %select_n3A_517 = arith.select %gt3A_512, %broadcast_in_dim3A_516, %broadcast_in_dim3A_510 : vector<16xi1>, vector<16xf32>
        %select_n3A_518 = arith.select %gt3A_511, %broadcast_in_dim3A_506, %select_n3A_517 : vector<16xi1>, vector<16xf32>
        %select_n3A_519 = arith.select %gt3A_511, %get3A_484, %get3A_480 : vector<16xi1>, vector<16xf32>
        %jit3A_520 = arith.constant 1.000000e+00 : f32
        %broadcast_in_dim3A_521 = vector.broadcast %jit3A_520 : f32 to vector<16xf32>
        %select_n3A_522 = arith.select %gt3A_511, %broadcast_in_dim3A_521, %broadcast_in_dim3A_506 : vector<16xi1>, vector<16xf32>
        %gt3A_523 = arith.cmpf ogt, %get3A_488, %select_n3A_519 : vector<16xf32>
        %gt3A_524 = arith.cmpf ogt, %get3A_488, %select_n3A_514 : vector<16xf32>
        %select_n3A_525 = arith.select %gt3A_524, %get3A_488, %select_n3A_514 : vector<16xi1>, vector<16xf32>
        %select_n3A_526 = arith.select %gt3A_523, %select_n3A_519, %select_n3A_525 : vector<16xi1>, vector<16xf32>
        %jit3A_527 = arith.constant 2.000000e+00 : f32
        %broadcast_in_dim3A_528 = vector.broadcast %jit3A_527 : f32 to vector<16xf32>
        %select_n3A_529 = arith.select %gt3A_524, %broadcast_in_dim3A_528, %select_n3A_518 : vector<16xi1>, vector<16xf32>
        %select_n3A_530 = arith.select %gt3A_523, %select_n3A_522, %select_n3A_529 : vector<16xi1>, vector<16xf32>
        %select_n3A_531 = arith.select %gt3A_523, %get3A_488, %select_n3A_519 : vector<16xi1>, vector<16xf32>
        %jit3A_532 = arith.constant 2.000000e+00 : f32
        %broadcast_in_dim3A_533 = vector.broadcast %jit3A_532 : f32 to vector<16xf32>
        %select_n3A_534 = arith.select %gt3A_523, %broadcast_in_dim3A_533, %select_n3A_522 : vector<16xi1>, vector<16xf32>
        %gt3A_535 = arith.cmpf ogt, %get3A_492, %select_n3A_531 : vector<16xf32>
        %gt3A_536 = arith.cmpf ogt, %get3A_492, %select_n3A_526 : vector<16xf32>
        %select_n3A_537 = arith.select %gt3A_536, %get3A_492, %select_n3A_526 : vector<16xi1>, vector<16xf32>
        %select_n3A_538 = arith.select %gt3A_535, %select_n3A_531, %select_n3A_537 : vector<16xi1>, vector<16xf32>
        %jit3A_539 = arith.constant 3.000000e+00 : f32
        %broadcast_in_dim3A_540 = vector.broadcast %jit3A_539 : f32 to vector<16xf32>
        %select_n3A_541 = arith.select %gt3A_536, %broadcast_in_dim3A_540, %select_n3A_530 : vector<16xi1>, vector<16xf32>
        %select_n3A_542 = arith.select %gt3A_535, %select_n3A_534, %select_n3A_541 : vector<16xi1>, vector<16xf32>
        %select_n3A_543 = arith.select %gt3A_535, %get3A_492, %select_n3A_531 : vector<16xi1>, vector<16xf32>
        %jit3A_544 = arith.constant 3.000000e+00 : f32
        %broadcast_in_dim3A_545 = vector.broadcast %jit3A_544 : f32 to vector<16xf32>
        %select_n3A_546 = arith.select %gt3A_535, %broadcast_in_dim3A_545, %select_n3A_534 : vector<16xi1>, vector<16xf32>
        %gt3A_547 = arith.cmpf ogt, %get3A_496, %select_n3A_543 : vector<16xf32>
        %gt3A_548 = arith.cmpf ogt, %get3A_496, %select_n3A_538 : vector<16xf32>
        %select_n3A_549 = arith.select %gt3A_548, %get3A_496, %select_n3A_538 : vector<16xi1>, vector<16xf32>
        %select_n3A_550 = arith.select %gt3A_547, %select_n3A_543, %select_n3A_549 : vector<16xi1>, vector<16xf32>
        %jit3A_551 = arith.constant 4.000000e+00 : f32
        %broadcast_in_dim3A_552 = vector.broadcast %jit3A_551 : f32 to vector<16xf32>
        %select_n3A_553 = arith.select %gt3A_548, %broadcast_in_dim3A_552, %select_n3A_542 : vector<16xi1>, vector<16xf32>
        %select_n3A_554 = arith.select %gt3A_547, %select_n3A_546, %select_n3A_553 : vector<16xi1>, vector<16xf32>
        %select_n3A_555 = arith.select %gt3A_547, %get3A_496, %select_n3A_543 : vector<16xi1>, vector<16xf32>
        %jit3A_556 = arith.constant 4.000000e+00 : f32
        %broadcast_in_dim3A_557 = vector.broadcast %jit3A_556 : f32 to vector<16xf32>
        %select_n3A_558 = arith.select %gt3A_547, %broadcast_in_dim3A_557, %select_n3A_546 : vector<16xi1>, vector<16xf32>
        %gt3A_559 = arith.cmpf ogt, %get3A_500, %select_n3A_555 : vector<16xf32>
        %gt3A_560 = arith.cmpf ogt, %get3A_500, %select_n3A_550 : vector<16xf32>
        %select_n3A_561 = arith.select %gt3A_560, %get3A_500, %select_n3A_550 : vector<16xi1>, vector<16xf32>
        %select_n3A_562 = arith.select %gt3A_559, %select_n3A_555, %select_n3A_561 : vector<16xi1>, vector<16xf32>
        %jit3A_563 = arith.constant 5.000000e+00 : f32
        %broadcast_in_dim3A_564 = vector.broadcast %jit3A_563 : f32 to vector<16xf32>
        %select_n3A_565 = arith.select %gt3A_560, %broadcast_in_dim3A_564, %select_n3A_554 : vector<16xi1>, vector<16xf32>
        %select_n3A_566 = arith.select %gt3A_559, %select_n3A_558, %select_n3A_565 : vector<16xi1>, vector<16xf32>
        %select_n3A_567 = arith.select %gt3A_559, %get3A_500, %select_n3A_555 : vector<16xi1>, vector<16xf32>
        %jit3A_568 = arith.constant 5.000000e+00 : f32
        %broadcast_in_dim3A_569 = vector.broadcast %jit3A_568 : f32 to vector<16xf32>
        %select_n3A_570 = arith.select %gt3A_559, %broadcast_in_dim3A_569, %select_n3A_558 : vector<16xi1>, vector<16xf32>
        %gt3A_571 = arith.cmpf ogt, %get3A_504, %select_n3A_567 : vector<16xf32>
        %gt3A_572 = arith.cmpf ogt, %get3A_504, %select_n3A_562 : vector<16xf32>
        %select_n3A_573 = arith.select %gt3A_572, %get3A_504, %select_n3A_562 : vector<16xi1>, vector<16xf32>
        %select_n3A_574 = arith.select %gt3A_571, %select_n3A_567, %select_n3A_573 : vector<16xi1>, vector<16xf32>
        %jit3A_575 = arith.constant 6.000000e+00 : f32
        %broadcast_in_dim3A_576 = vector.broadcast %jit3A_575 : f32 to vector<16xf32>
        %select_n3A_577 = arith.select %gt3A_572, %broadcast_in_dim3A_576, %select_n3A_566 : vector<16xi1>, vector<16xf32>
        %select_n3A_578 = arith.select %gt3A_571, %select_n3A_570, %select_n3A_577 : vector<16xi1>, vector<16xf32>
        %select_n3A_579 = arith.select %gt3A_571, %get3A_504, %select_n3A_567 : vector<16xi1>, vector<16xf32>
        %jit3A_580 = arith.constant 6.000000e+00 : f32
        %broadcast_in_dim3A_581 = vector.broadcast %jit3A_580 : f32 to vector<16xf32>
        %select_n3A_582 = arith.select %gt3A_571, %broadcast_in_dim3A_581, %select_n3A_570 : vector<16xi1>, vector<16xf32>
        %sub3A_583 = arith.subf %get3A_480, %select_n3A_579 : vector<16xf32>
        %exp3A_584 = math.exp %sub3A_583 : vector<16xf32>
        %sub3A_585 = arith.subf %get3A_484, %select_n3A_579 : vector<16xf32>
        %exp3A_586 = math.exp %sub3A_585 : vector<16xf32>
        %add3A_587 = arith.addf %exp3A_584, %exp3A_586 : vector<16xf32>
        %sub3A_588 = arith.subf %get3A_488, %select_n3A_579 : vector<16xf32>
        %exp3A_589 = math.exp %sub3A_588 : vector<16xf32>
        %add3A_590 = arith.addf %add3A_587, %exp3A_589 : vector<16xf32>
        %sub3A_591 = arith.subf %get3A_492, %select_n3A_579 : vector<16xf32>
        %exp3A_592 = math.exp %sub3A_591 : vector<16xf32>
        %add3A_593 = arith.addf %add3A_590, %exp3A_592 : vector<16xf32>
        %sub3A_594 = arith.subf %get3A_496, %select_n3A_579 : vector<16xf32>
        %exp3A_595 = math.exp %sub3A_594 : vector<16xf32>
        %add3A_596 = arith.addf %add3A_593, %exp3A_595 : vector<16xf32>
        %sub3A_597 = arith.subf %get3A_500, %select_n3A_579 : vector<16xf32>
        %exp3A_598 = math.exp %sub3A_597 : vector<16xf32>
        %add3A_599 = arith.addf %add3A_596, %exp3A_598 : vector<16xf32>
        %sub3A_600 = arith.subf %get3A_504, %select_n3A_579 : vector<16xf32>
        %exp3A_601 = math.exp %sub3A_600 : vector<16xf32>
        %add3A_602 = arith.addf %add3A_599, %exp3A_601 : vector<16xf32>
        %div3A_603 = arith.constant 1.000000e+00 : f32
        %div3A_604 = vector.broadcast %div3A_603 : f32 to vector<16xf32>
        %div3A_605 = arith.divf %div3A_604, %add3A_602 : vector<16xf32>
        %sub3A_606 = arith.subf %select_n3A_574, %select_n3A_579 : vector<16xf32>
        %exp3A_607 = math.exp %sub3A_606 : vector<16xf32>
        %mul3A_608 = arith.mulf %exp3A_607, %div3A_605 : vector<16xf32>
        %sub3A_609 = arith.subf %select_n3A_582, %select_n3A_578 : vector<16xf32>
        %abs3A_610 = math.absf %sub3A_609 : vector<16xf32>
        %sub3A_611 = arith.constant 1.000000e+00 : f32
        %sub3A_612 = vector.broadcast %sub3A_611 : f32 to vector<16xf32>
        %sub3A_613 = arith.subf %abs3A_610, %sub3A_612 : vector<16xf32>
        %mul3A_614 = arith.mulf %mul3A_608, %sub3A_613 : vector<16xf32>
        %add3A_615 = arith.addf %div3A_605, %mul3A_614 : vector<16xf32>
        %add3A_616 = vector.broadcast %mul3A_35 : i32 to vector<16xi32>
        %add3A_617 = arith.addi %iota3A, %add3A_616 : vector<16xi32>
        %add3A_618 = arith.constant 16800 : i32
        %add3A_619 = vector.broadcast %add3A_618 : i32 to vector<16xi32>
        %add3A_620 = arith.addi %add3A_617, %add3A_619 : vector<16xi32>
        %convert_element_type3A_621 = arith.fptosi %select_n3A_582 : vector<16xf32> to vector<16xi32>
        %mul3A_622 = arith.constant 800 : i32
        %mul3A_623 = vector.broadcast %mul3A_622 : i32 to vector<16xi32>
        %mul3A_624 = arith.muli %convert_element_type3A_621, %mul3A_623 : vector<16xi32>
        %add3A_625 = arith.addi %add3A_620, %mul3A_624 : vector<16xi32>
        %gather3A_626 = tpu.vector_load_idx %arg8[%add3A_625] : memref<22400xf32, #tpu.memory_space<vmem>>[vector<16xi32>], vector<16xf32>,
        %add3A_627 = arith.constant 0 : i32
        %add3A_628 = arith.addi %add3A_627, %mul3A_35 : i32
        %get3A_629 = arith.index_cast %add3A_628 : i32 to index
        %get3A_630 = tpu.vector_load %arg9[%get3A_629] {strides = array<i32>} : memref<3200xf32, #tpu.memory_space<vmem>>, vector<16xf32>,
        %add3A_631 = arith.constant 800 : i32
        %add3A_632 = arith.addi %add3A_631, %mul3A_35 : i32
        %get3A_633 = arith.index_cast %add3A_632 : i32 to index
        %get3A_634 = tpu.vector_load %arg9[%get3A_633] {strides = array<i32>} : memref<3200xf32, #tpu.memory_space<vmem>>, vector<16xf32>,
        %add3A_635 = arith.constant 1600 : i32
        %add3A_636 = arith.addi %add3A_635, %mul3A_35 : i32
        %get3A_637 = arith.index_cast %add3A_636 : i32 to index
        %get3A_638 = tpu.vector_load %arg9[%get3A_637] {strides = array<i32>} : memref<3200xf32, #tpu.memory_space<vmem>>, vector<16xf32>,
        %add3A_639 = arith.constant 2400 : i32
        %add3A_640 = arith.addi %add3A_639, %mul3A_35 : i32
        %get3A_641 = arith.index_cast %add3A_640 : i32 to index
        %get3A_642 = tpu.vector_load %arg9[%get3A_641] {strides = array<i32>} : memref<3200xf32, #tpu.memory_space<vmem>>, vector<16xf32>,
        %add3A_643 = arith.addf %get3A_630, %get3A_638 : vector<16xf32>
        %mul3A_644 = arith.constant 5.000000e-01 : f32
        %mul3A_645 = vector.broadcast %mul3A_644 : f32 to vector<16xf32>
        %mul3A_646 = arith.mulf %add3A_643, %mul3A_645 : vector<16xf32>
        %add3A_647 = arith.addf %get3A_634, %get3A_642 : vector<16xf32>
        %mul3A_648 = arith.constant 5.000000e-01 : f32
        %mul3A_649 = vector.broadcast %mul3A_648 : f32 to vector<16xf32>
        %mul3A_650 = arith.mulf %add3A_647, %mul3A_649 : vector<16xf32>
        %sub3A_651 = arith.subf %get3A_638, %get3A_630 : vector<16xf32>
        %mul3A_652 = arith.constant 1.700000e+00 : f32
        %mul3A_653 = vector.broadcast %mul3A_652 : f32 to vector<16xf32>
        %mul3A_654 = arith.mulf %sub3A_651, %mul3A_653 : vector<16xf32>
        %sub3A_655 = arith.subf %get3A_642, %get3A_634 : vector<16xf32>
        %mul3A_656 = arith.constant 1.700000e+00 : f32
        %mul3A_657 = vector.broadcast %mul3A_656 : f32 to vector<16xf32>
        %mul3A_658 = arith.mulf %sub3A_655, %mul3A_657 : vector<16xf32>
        %mul3A_659 = arith.constant 5.000000e-01 : f32
        %mul3A_660 = vector.broadcast %mul3A_659 : f32 to vector<16xf32>
        %mul3A_661 = arith.mulf %mul3A_660, %mul3A_654 : vector<16xf32>
        %sub3A_662 = arith.subf %mul3A_646, %mul3A_661 : vector<16xf32>
        %mul3A_663 = arith.constant 5.000000e-01 : f32
        %mul3A_664 = vector.broadcast %mul3A_663 : f32 to vector<16xf32>
        %mul3A_665 = arith.mulf %mul3A_664, %mul3A_654 : vector<16xf32>
        %add3A_666 = arith.addf %mul3A_646, %mul3A_665 : vector<16xf32>
        %mul3A_667 = arith.constant 5.000000e-01 : f32
        %mul3A_668 = vector.broadcast %mul3A_667 : f32 to vector<16xf32>
        %mul3A_669 = arith.mulf %mul3A_668, %mul3A_658 : vector<16xf32>
        %sub3A_670 = arith.subf %mul3A_650, %mul3A_669 : vector<16xf32>
        %mul3A_671 = arith.constant 5.000000e-01 : f32
        %mul3A_672 = vector.broadcast %mul3A_671 : f32 to vector<16xf32>
        %mul3A_673 = arith.mulf %mul3A_672, %mul3A_658 : vector<16xf32>
        %add3A_674 = arith.addf %mul3A_650, %mul3A_673 : vector<16xf32>
        %sub3A_675 = arith.subf %add3A_666, %sub3A_662 : vector<16xf32>
        %mul3A_676 = arith.constant 0.0714285746 : f32
        %mul3A_677 = vector.broadcast %mul3A_676 : f32 to vector<16xf32>
        %mul3A_678 = arith.mulf %sub3A_675, %mul3A_677 : vector<16xf32>
        %sub3A_679 = arith.subf %add3A_674, %sub3A_670 : vector<16xf32>
        %mul3A_680 = arith.constant 0.0714285746 : f32
        %mul3A_681 = vector.broadcast %mul3A_680 : f32 to vector<16xf32>
        %mul3A_682 = arith.mulf %sub3A_679, %mul3A_681 : vector<16xf32>
        %add3A_683 = arith.constant 5.000000e-01 : f32
        %add3A_684 = vector.broadcast %add3A_683 : f32 to vector<16xf32>
        %add3A_685 = arith.addf %add3A_684, %select_n3A_138 : vector<16xf32>
        %mul3A_686 = arith.mulf %add3A_685, %mul3A_678 : vector<16xf32>
        %add3A_687 = arith.addf %sub3A_662, %mul3A_686 : vector<16xf32>
        %mul3A_688 = arith.mulf %gather3A, %mul3A_678 : vector<16xf32>
        %sub3A_689 = arith.subf %add3A_687, %mul3A_688 : vector<16xf32>
        %add3A_690 = arith.constant 5.000000e-01 : f32
        %add3A_691 = vector.broadcast %add3A_690 : f32 to vector<16xf32>
        %add3A_692 = arith.addf %add3A_691, %select_n3A_282 : vector<16xf32>
        %mul3A_693 = arith.mulf %add3A_692, %mul3A_678 : vector<16xf32>
        %sub3A_694 = arith.subf %add3A_666, %mul3A_693 : vector<16xf32>
        %mul3A_695 = arith.mulf %gather3A_326, %mul3A_678 : vector<16xf32>
        %sub3A_696 = arith.subf %sub3A_694, %mul3A_695 : vector<16xf32>
        %add3A_697 = arith.constant 5.000000e-01 : f32
        %add3A_698 = vector.broadcast %add3A_697 : f32 to vector<16xf32>
        %add3A_699 = arith.addf %add3A_698, %select_n3A_432 : vector<16xf32>
        %mul3A_700 = arith.mulf %add3A_699, %mul3A_682 : vector<16xf32>
        %add3A_701 = arith.addf %sub3A_670, %mul3A_700 : vector<16xf32>
        %mul3A_702 = arith.mulf %gather3A_476, %mul3A_682 : vector<16xf32>
        %sub3A_703 = arith.subf %add3A_701, %mul3A_702 : vector<16xf32>
        %add3A_704 = arith.constant 5.000000e-01 : f32
        %add3A_705 = vector.broadcast %add3A_704 : f32 to vector<16xf32>
        %add3A_706 = arith.addf %add3A_705, %select_n3A_582 : vector<16xf32>
        %mul3A_707 = arith.mulf %add3A_706, %mul3A_682 : vector<16xf32>
        %sub3A_708 = arith.subf %add3A_674, %mul3A_707 : vector<16xf32>
        %mul3A_709 = arith.mulf %gather3A_626, %mul3A_682 : vector<16xf32>
        %sub3A_710 = arith.subf %sub3A_708, %mul3A_709 : vector<16xf32>
        %add3A_711 = arith.addf %add3A_167, %add3A_315 : vector<16xf32>
        %add3A_712 = arith.addf %add3A_711, %add3A_465 : vector<16xf32>
        %add3A_713 = arith.addf %add3A_712, %add3A_615 : vector<16xf32>
        %mul3A_714 = arith.constant 2.500000e-01 : f32
        %mul3A_715 = vector.broadcast %mul3A_714 : f32 to vector<16xf32>
        %mul3A_716 = arith.mulf %add3A_713, %mul3A_715 : vector<16xf32>
        %add3A_717 = arith.constant 0 : i32
        %add3A_718 = arith.addi %add3A_717, %mul3A_35 : i32
        %swap3A = arith.index_cast %add3A_718 : i32 to index
        %swap3A_719 = tpu.vector_load %arg10[%swap3A] {strides = array<i32>} : memref<3200xf32, #tpu.memory_space<vmem>>, vector<16xf32>,
        tpu.vector_store %arg10[%swap3A], %sub3A_689 {strides = array<i32>} : memref<3200xf32, #tpu.memory_space<vmem>>, vector<16xf32>,
        %add3A_720 = arith.constant 800 : i32
        %add3A_721 = arith.addi %add3A_720, %mul3A_35 : i32
        %swap3A_722 = arith.index_cast %add3A_721 : i32 to index
        %swap3A_723 = tpu.vector_load %arg10[%swap3A_722] {strides = array<i32>} : memref<3200xf32, #tpu.memory_space<vmem>>, vector<16xf32>,
        tpu.vector_store %arg10[%swap3A_722], %sub3A_703 {strides = array<i32>} : memref<3200xf32, #tpu.memory_space<vmem>>, vector<16xf32>,
        %add3A_724 = arith.constant 1600 : i32
        %add3A_725 = arith.addi %add3A_724, %mul3A_35 : i32
        %swap3A_726 = arith.index_cast %add3A_725 : i32 to index
        %swap3A_727 = tpu.vector_load %arg10[%swap3A_726] {strides = array<i32>} : memref<3200xf32, #tpu.memory_space<vmem>>, vector<16xf32>,
        tpu.vector_store %arg10[%swap3A_726], %sub3A_696 {strides = array<i32>} : memref<3200xf32, #tpu.memory_space<vmem>>, vector<16xf32>,
        %add3A_728 = arith.constant 2400 : i32
        %add3A_729 = arith.addi %add3A_728, %mul3A_35 : i32
        %swap3A_730 = arith.index_cast %add3A_729 : i32 to index
        %swap3A_731 = tpu.vector_load %arg10[%swap3A_730] {strides = array<i32>} : memref<3200xf32, #tpu.memory_space<vmem>>, vector<16xf32>,
        tpu.vector_store %arg10[%swap3A_730], %sub3A_710 {strides = array<i32>} : memref<3200xf32, #tpu.memory_space<vmem>>, vector<16xf32>,
        %swap3A_732 = arith.index_cast %mul3A_35 : i32 to index
        %swap3A_733 = tpu.vector_load %arg11[%swap3A_732] {strides = array<i32>} : memref<800xf32, #tpu.memory_space<vmem>>, vector<16xf32>,
        tpu.vector_store %arg11[%swap3A_732], %mul3A_716 {strides = array<i32>} : memref<800xf32, #tpu.memory_space<vmem>>, vector<16xf32>,
      }
      %scan3A_28 = arith.constant 50 : i32
      %mul3A_29 = arith.constant 3200 : i32
      %mul3A_30 = arith.muli %add3A_17, %mul3A_29 : i32
      "tpu.region"() ({
        %run_scoped3A = tpu.sem_alloc : memref<!tpu.dma_semaphore, #tpu.memory_space<semaphore_mem>>
        %dma_start3A = tpu.memref_slice %arg5[%mul3A_30] : memref<640000xf32, #tpu.memory_space<hbm>> -> memref<3200xf32, #tpu.memory_space<hbm>>
        %dma_start3A_33 = tpu.memref_slice %arg5[%mul3A_30] : memref<640000xf32, #tpu.memory_space<hbm>> -> memref<3200xf32, #tpu.memory_space<hbm>>
        tpu.enqueue_dma source(%arg10 : memref<3200xf32, #tpu.memory_space<vmem>>) target(%dma_start3A_33 : memref<3200xf32, #tpu.memory_space<hbm>>) target_semaphore(%run_scoped3A : memref<!tpu.dma_semaphore, #tpu.memory_space<semaphore_mem>>)
        %dma_wait3A = tpu.memref_slice %arg5[%mul3A_30] : memref<640000xf32, #tpu.memory_space<hbm>> -> memref<3200xf32, #tpu.memory_space<hbm>>
        %dma_wait3A_34 = tpu.memref_slice %arg5[%mul3A_30] : memref<640000xf32, #tpu.memory_space<hbm>> -> memref<3200xf32, #tpu.memory_space<hbm>>
        tpu.wait_dma2 semaphore(%run_scoped3A : memref<!tpu.dma_semaphore, #tpu.memory_space<semaphore_mem>>) src(%arg10 : memref<3200xf32, #tpu.memory_space<vmem>>) dst(%dma_wait3A_34 : memref<3200xf32, #tpu.memory_space<hbm>>)
        tpu.yield
      }) : () -> ()
      %mul3A_31 = arith.constant 800 : i32
      %mul3A_32 = arith.muli %add3A_17, %mul3A_31 : i32
      "tpu.region"() ({
        %run_scoped3A = tpu.sem_alloc : memref<!tpu.dma_semaphore, #tpu.memory_space<semaphore_mem>>
        %dma_start3A = tpu.memref_slice %arg6[%mul3A_32] : memref<160000xf32, #tpu.memory_space<hbm>> -> memref<800xf32, #tpu.memory_space<hbm>>
        %dma_start3A_33 = tpu.memref_slice %arg6[%mul3A_32] : memref<160000xf32, #tpu.memory_space<hbm>> -> memref<800xf32, #tpu.memory_space<hbm>>
        tpu.enqueue_dma source(%arg11 : memref<800xf32, #tpu.memory_space<vmem>>) target(%dma_start3A_33 : memref<800xf32, #tpu.memory_space<hbm>>) target_semaphore(%run_scoped3A : memref<!tpu.dma_semaphore, #tpu.memory_space<semaphore_mem>>)
        %dma_wait3A = tpu.memref_slice %arg6[%mul3A_32] : memref<160000xf32, #tpu.memory_space<hbm>> -> memref<800xf32, #tpu.memory_space<hbm>>
        %dma_wait3A_34 = tpu.memref_slice %arg6[%mul3A_32] : memref<160000xf32, #tpu.memory_space<hbm>> -> memref<800xf32, #tpu.memory_space<hbm>>
        tpu.wait_dma2 semaphore(%run_scoped3A : memref<!tpu.dma_semaphore, #tpu.memory_space<semaphore_mem>>) src(%arg11 : memref<800xf32, #tpu.memory_space<vmem>>) dst(%dma_wait3A_34 : memref<800xf32, #tpu.memory_space<hbm>>)
        tpu.yield
      }) : () -> ()
    }
    return
  }
}

</mosaic_0001>

<sc_bundles>
// kernel: kernel.3.cloned.1.call-start
scs
__scs_entry_jumppad:
0x0: {  	(pc) =	sbr.rel $0x88, $3  }
0x1: {  	(tag) =	ssettag $0x0;
	lr =	simm.s32 $0x1  }
0x2: {  	[smem:$0x3F9E] =	sst lr;
	_ =	strace $0xD0000000  }
0x3: {  	_ = 	snop  }
0x4: {  	_ = 	snop  }
0x5: {  	_ = 	snop  }
0x6: {  	_ = 	snop  }
0x7: {  	_ = 	snop  }
__scs_overlays_trampoline_lowered:
0x8: {  	[smem:$0x3FAD] =	sst s0  }
0x9: {  	[smem:$0x3FAE] =	sst s1  }
0xa: {  	[smem:$0x3FAF] =	sst s2  }
0xb: {  	[smem:$0x3FB0] =	sst s3  }
0xc: {  	[smem:$0x3FB1] =	sst s4  }
0xd: {  	[smem:$0x3FB2] =	sst s5  }
0xe: {  	[smem:$0x3FB3] =	sst s6  }
0xf: {  	[smem:$0x3FB4] =	sst s7  }
0x10: {  	[smem:$0x3FB5] =	sst s8  }
0x11: {  	[smem:$0x3FB6] =	sst s9;
	s0 =	simm.s32 @!p0 $0x0  }
0x12: {  	s1 =	sld [smem:$0x3F9C];
	s0 =	simm.s32 @p0 $0x1  }
0x13: {  	[smem:$0x3FB7] =	sst s0;
	s0 =	simm.s32 @!p1 $0x0  }
0x14: {  	s2 =	sld [smem:$0x3F9B];
	s0 =	simm.s32 @p1 $0x1  }
0x15: {  	[smem:$0x3FB8] =	sst s0;
	s0 =	simm.s32 @!p2 $0x0  }
0x16: {  	s3 =	sld [smem:$0x3FDB];
	s0 =	simm.s32 @p2 $0x1  }
0x17: {  	s4 =	simm.s32 $0x1BF5;
	[smem:$0x3FBA] =	sst s0  }
0x18: {  	s0 =	sld [smem:$0x3F9D];
	_ =	swait.ge [sflag:s4], $0x0  }
0x19: {  	s7 =	sld [smem:$0x3F9E]  }
0x1a: {  	s8 =	sadd.s32 $0xFFFFE003, lr  }
0x1b: {  	s9 =	sadd.s32 $0xFFFFFEF7, lr;
	s5 =	simm.s32 $0xFFFFFFFF;
	p2 =	slt.u32 s8, $0xFFFFF086  }
0x1c: {  	p1 =	slt.u32 s9, $0xF7A;
	s5 =	simm.s32 @!p2 $0x0  }
0x1d: {  	s5 =	simm.s32 @p1 $0x1;
	p0 =	seq.s32 s7, s2  }
0x1e: {  	s7 =	smul.u32 @!p0 $0xF7A, s2;
	p2 =	seq.s32 @!p0 s5, $0x0  }
0x1f: {  	s9 =	smul.u32 $0xF7A, s1;
	s8 =	simm.s32 @!p0 $0x1BF5;
	p2 =	por !p2, p0  }
0x20: {  	[sflag:s8] =	ssyncset.s32 @!p0 $0xFFFFF086;
	s6 =	sadd.s32 @!p0 s3, s7;
	s7 =	simm.s32 @!p0 $0x108  }
0x21: {  	s3 =	sadd.s32 s3, s9;
	s6 =	sadd.s32 @!p0 $0x88, s6;
	s7 =	simm.s32 @p2 $0x1082  }
0x22: {  	[simem:s7], [sflag:s8] =	dma.local @!p0 [hbm:s6], $0xF7A  }
0x23: {  	s9 =	sor.u32 $0xD0000000, s2;
	s6 =	simm.s32 $0x108;
	_ =	swait.ge @!p0 [sflag:s8], $0x0  }
0x24: {  	s3 =	sadd.s32 $0x88, s3;
	s6 =	simm.s32 @!p1 $0x1082;
	[sflag:s4] =	ssyncset.s32 $0xFFFFF086  }
0x25: {  	[simem:s6], [sflag:s4] =	dma.local [hbm:s3], $0xF7A  }
0x26: {  	[smem:$0x3F9E] =	sst s1;
	(tag) =	ssettag s2;
	_ =	strace s9  }
0x27: {  	s1 =	sld [smem:$0x3FAE]  }
0x28: {  	s2 =	sld [smem:$0x3FAF]  }
0x29: {  	s4 =	sld [smem:$0x3FB1]  }
0x2a: {  	p0 =	seq.s32 s5, $0x0;
	s5 =	sld [smem:$0x3FB2]  }
0x2b: {  	s6 =	sld [smem:$0x3FB3]  }
0x2c: {  	s7 =	sld [smem:$0x3FB4]  }
0x2d: {  	s3 =	simm.s32 $0x108;
	s8 =	sld [smem:$0x3FB5]  }
0x2e: {  	s3 =	simm.s32 @!p0 $0x1082;
	s9 =	sld [smem:$0x3FB6]  }
0x2f: {  	lr =	sadd.s32 s0, s3;
	s0 =	sld [smem:$0x3FAD]  }
0x30: {  	s3 =	sld [smem:$0x3FB0]  }
0x31: {  	[smem:$0x3FB9] =	sst s10  }
0x32: {  	s10 =	sld [smem:$0x3FB7];
	_ =	sdelay $0x3  }
0x33: {  	p0 =	seq.s32 s10, $0x1;
	s10 =	sld [smem:$0x3FB9];
	_ =	sdelay $0x3  }
0x34: {  	[smem:$0x3FB9] =	sst s10  }
0x35: {  	s10 =	sld [smem:$0x3FB8];
	_ =	sdelay $0x3  }
0x36: {  	p1 =	seq.s32 s10, $0x1;
	s10 =	sld [smem:$0x3FB9];
	_ =	sdelay $0x3  }
0x37: {  	[smem:$0x3FB9] =	sst s10  }
0x38: {  	s10 =	sld [smem:$0x3FBA]  }
0x39: {  	_ = 	snop;
	(pc) =	sbr.ind lr, $3  }
0x3a: {  	_ = 	snop  }
0x3b: {  	_ = 	snop  }
0x3c: {  	p2 =	seq.s32 s10, $0x1;
	s10 =	sld [smem:$0x3FB9]  }
0x3d: {  	_ =	shalt  }
0x3e: {  	_ =	shalt  }
0x3f: {  	_ =	shalt  }
0x40: {  	_ =	shalt  }
0x41: {  	_ =	shalt  }
0x42: {  	_ =	shalt  }
0x43: {  	_ =	shalt  }
0x44: {  	_ =	shalt  }
0x45: {  	_ =	shalt  }
0x46: {  	_ =	shalt  }
0x47: {  	_ =	shalt  }
0x48: {  	_ =	shalt  }
0x49: {  	_ =	shalt  }
0x4a: {  	_ =	shalt  }
0x4b: {  	_ =	shalt  }
0x4c: {  	_ =	shalt  }
0x4d: {  	_ =	shalt  }
0x4e: {  	_ =	shalt  }
0x4f: {  	_ =	shalt  }
0x50: {  	_ =	shalt  }
0x51: {  	_ =	shalt  }
0x52: {  	_ =	shalt  }
0x53: {  	_ =	shalt  }
0x54: {  	_ =	shalt  }
0x55: {  	_ =	shalt  }
0x56: {  	_ =	shalt  }
0x57: {  	_ =	shalt  }
0x58: {  	_ =	shalt  }
0x59: {  	_ =	shalt  }
0x5a: {  	_ =	shalt  }
0x5b: {  	_ =	shalt  }
0x5c: {  	_ =	shalt  }
0x5d: {  	_ =	shalt  }
0x5e: {  	_ =	shalt  }
0x5f: {  	_ =	shalt  }
0x60: {  	_ =	shalt  }
0x61: {  	_ =	shalt  }
0x62: {  	_ =	shalt  }
0x63: {  	_ =	shalt  }
0x64: {  	_ =	shalt  }
0x65: {  	_ =	shalt  }
0x66: {  	_ =	shalt  }
0x67: {  	_ =	shalt  }
0x68: {  	_ =	shalt  }
0x69: {  	_ =	shalt  }
0x6a: {  	_ =	shalt  }
0x6b: {  	_ =	shalt  }
0x6c: {  	_ =	shalt  }
0x6d: {  	_ =	shalt  }
0x6e: {  	_ =	shalt  }
0x6f: {  	_ =	shalt  }
0x70: {  	_ =	shalt  }
0x71: {  	_ =	shalt  }
0x72: {  	_ =	shalt  }
0x73: {  	_ =	shalt  }
0x74: {  	_ =	shalt  }
0x75: {  	_ =	shalt  }
0x76: {  	_ =	shalt  }
0x77: {  	_ =	shalt  }
0x78: {  	_ =	shalt  }
0x79: {  	_ =	shalt  }
0x7a: {  	_ =	shalt  }
0x7b: {  	_ =	shalt  }
0x7c: {  	_ =	shalt  }
0x7d: {  	_ =	shalt  }
0x7e: {  	_ =	shalt  }
0x7f: {  	_ =	shalt  }
0x80: {  	_ =	shalt  }
0x81: {  	_ =	shalt  }
0x82: {  	_ =	shalt  }
0x83: {  	_ =	shalt  }
0x84: {  	_ =	shalt  }
0x85: {  	_ =	shalt  }
0x86: {  	_ =	shalt  }
0x87: {  	_ =	shalt  }
.Lfunc_end0:
.L_simem_size_0:
called_computation_lowered:
.L_overlay_start_0:
0x88: {  	s2 =	sld [smem:$0x3FD9]  }
0x89: {  	s3 =	sld [smem:$0x3FFE];
	_ =	sdelay $0x1  }
0x8a: {  	s1 =	srdreg.scid  }
0x8b: {  	s0 =	sand.u32 $0x1, s1  }
0x8c: {  	s14 =	sshll.u32 s0, $0xA;
	s2 =	sadd.s32 s3, s2  }
0x8d: {  	s2 =	sadd.s32 s2, s14  }
0x8e: {  	[smem:$0x3FC5] =	sst s2  }
0x8f: {  	_ = 	snop  }
0x90: {  	s2 =	sld [smem:$0x3FD0];
	_ =	sdelay $0x2  }
0x91: {  	s15 =	simm.s32 $0xA;
	s4 =	simm.s32 $0x10  }
0x92: {  	[smem:s4], [sflag:s15] =	dma.local [hbm:s2], $0x1  }
0x93: {  	_ =	swait.eq [sflag:s15], $0x1  }
0x94: {  	[sflag:s15] =	ssyncset.done $0x0  }
0x95: {  	s16 =	sld [smem:$0x10];
	[sflag:s15] =	ssyncadd.s32 $0xFFFFFFFF  }
0x96: {  	s17 =	sld [smem:$0x11];
	(tm) =	ssettm $0x1  }
0x97: {  	s18 =	sld [smem:$0x3FFB];
	_ =	sdelay $0x3  }
0x98: {  	_ =	strace s18  }
0x99: {  	s4 =	sld [smem:$0x3FFC];
	_ =	sdelay $0x3  }
0x9a: {  	_ =	strace s4  }
0x9b: {  	s4 =	sld [smem:$0x3FFD];
	_ =	sdelay $0x3  }
0x9c: {  	_ =	strace s4  }
0x9d: {  	_ =	strace $0x8FFFFFFF  }
0x9e: {  	s19 =	sld [smem:$0x3FDB];
	_ =	sdelay $0x1  }
0x9f: {  	s5 =	simm.s32 $_scs_section_size  }
0xa0: {  	s6 =	simm.s32 $_size__tile_overlayer_lowered;
	s7 =	simm.s32 $_tile_overlayer_lowered  }
0xa1: {  	s22 =	simm.s32 $0x1BFF;
	s21 =	sshll.u32 s7, $0x1;
	s4 =	sadd.s32 s5, s19  }
0xa2: {  	s8 =	simm.s32 $0x0;
	s20 =	sshll.u32 s6, $0x1;
	s6 =	sadd.s32 s21, s4  }
0xa3: {  	[timem:s8], [sflag:s22] =	dma.local [hbm:s6], s20  }
0xa4: {  	_ =	swait.ge [sflag:s22], s20  }
0xa5: {  	s5 =	ssub.s32 $0x0, s20;
	[sflag:s22] =	ssyncset.done $0x0  }
0xa6: {  	[sflag:s22] =	ssyncadd.s32 s5;
	_ =	sdelay $0x1  }
0xa7: {  	s23 =	simm.s32 $0x1B8B  }
0xa8: {  	_ =	swait.ge [sflag:s23], $0x1  }
0xa9: {  	[sflag:s23] =	ssyncset.done $0x0  }
0xaa: {  	s25 =	simm.s32 $0x1B8E;
	s24 =	sld [smem:$0x3FFE];
	[sflag:s23] =	ssyncadd.s32 $0xFFFFFFFF  }
0xab: {  	s26 =	simm.s32 $execute0_lowered;
	[smem:$0x3FD2] =	sst s25  }
0xac: {  	s6 =	sshll.u32 s26, $0x1;
	_ =	strace $0x80000046;
	[dreg:$0x1] =	wrdreg $0xFFFFFFFF  }
0xad: {  	s28 =	simm.s32 $_size_execute0_lowered;
	s4 =	sadd.s32 s4, s6;
	[dreg:$0x0] =	wrdreg $0x0  }
0xae: {  	s6 =	sshll.u32 s28, $0x1;
	[dreg:$0x2] =	wrdreg s4  }
0xaf: {  	[dreg:$0x3] =	wrdreg s6  }
0xb0: {  	[dreg:$0x4] =	wrdreg $0xC0  }
0xb1: {  	_ =	task [dreg:s8], $0x5FFFF  }
0xb2: {  	[dreg:$0x1] =	wrdreg $0xFFFFFFFF  }
0xb3: {  	[dreg:$0x0] =	wrdreg $0x60  }
0xb4: {  	[dreg:$0x2] =	wrdreg s24  }
0xb5: {  	[dreg:$0x3] =	wrdreg s16  }
0xb6: {  	[dreg:$0x4] =	wrdreg s17  }
0xb7: {  	[dreg:$0x5] =	wrdreg $0x9  }
0xb8: {  	_ =	task.clear_ibuf [dreg:s8], $0x6FFFF;
	_ =	strace $0x90000046  }
0xb9: {  	s29 =	simm.s32 $0x9;
	_ =	strace $0x80000048  }
0xba: {  	_ =	swait.ge [sflag:s29], $0x1  }
0xbb: {  	[sflag:s29] =	ssyncadd.s32 $0xFFFFFFFF  }
0xbc: {  	_ =	strace $0x90000048  }
0xbd: {  	_ =	sfence  }
0xbe: {  	s30 =	sld [smem:$0x0];
	_ =	sdelay $0x2  }
0xbf: {  	s31 =	sshll.u32 s1, $0xD;
	s1 =	sshrl.u32 s1, $0x2  }
0xc0: {  	s3 =	sand.u32 $0x4000, s31;
	s1 =	sadd.s32 s1, s30  }
0xc1: {  	s0 =	sor.u32 s3, s0;
	s1 =	sshll.u32 s1, $0x11  }
0xc2: {  	s0 =	sor.u32 s1, s0  }
0xc3: {  	s0 =	sadd.s32 $0x8F2B, s0  }
0xc4: {  	[sflag:s0] =	ssyncadd.remote.s32 $0x1  }
0xc5: {  	_ =	sfence.sel $0xFFFF  }
0xc6: {  	[dreg:$0x0] =	wrdreg $0xFFFFFFFF;
	(pc) =	sbr.abs _section_cstart, $3  }
0xc7: {  	[dreg:$0x1] =	wrdreg $0xFFFFFFFF  }
0xc8: {  	_ =	task.clear_ibuf [dreg:s8], $0x2FFFF;
	_ =	strace $0x9FFFFFFF  }
0xc9: {  	(tm) =	ssettm $0x7FFFFFFF  }
tec
execute0_lowered:
.L_overlay_start_1:
0x0: {  	(tag) =	ssettag $0x1  }
0x1: {  	s5 =	rddreg [dreg:$0x0]  }
0x2: {  	s1 =	rddreg [dreg:$0x1]  }
0x3: {  	s2 =	rddreg [dreg:$0x2]  }
0x4: {  	s0 =	rddreg [dreg:$0x3];
	s3 =	simm.s32 $0x0;
	s4 =	srdreg.scid  }
0x5: {  	s12 =	simm.s32 $0x1;
	s13 =	simm.s32 $0x5780;
	s14 =	simm.s32 $0xAF00  }
0x6: {  	s15 =	simm.s32 $0xBB80;
	s16 =	simm.s32 $0xC800;
	s17 =	simm.s32 $0x0  }
0x7: {  	[smem:$0x7FF] =	sst s3;
	s4 =	sand.u32 $0x1, s4;
	s6 =	sadd.s32 $0x89200, s5  }
0x8: {  	s7 =	sadd.s32 $0x600, s5;
	s8 =	sadd.s32 $0x111E00, s5;
	s9 =	ssub.s32 $0x2, s4  }
0x9: {  	s5 =	stileid.u32;
	_ =	strace $0x80000047;
	s10 =	sshrl.u32 s9, $0x1  }
0xa: {  	v0 =	vimm.f32 $1.000000000e+00;
	v1 =	vimm.f32 $0.0e+00;
	v2 =	vlaneseq.u32;
	p0 =	sgt.u32 s5, $0x3;
	s11 =	ssub.s32 s9, s10;
	s9 =	simm.s32 $0x6  }
0xb: {  	v3 =	vor.u32 $0x15E0, v2;
	v4 =	vor.u32 $0x2BC0, v2;
	v5 =	vor.u32 $0x41A0, v2;
	s10 =	sshll.u32 s5, $0x1;
	s9 =	simm.s32 @!p0 $0x7;
	s11 =	smax.u32 s11, $0x1  }
.LBB2_1:
0xc: {  	s18 =	simm.s32 $0x0  }
.LBB2_2:
0xd: {  	s19 =	sshll.u32 s18, $0x5  }
0xe: {  	s19 =	sor.u32 s19, s10  }
0xf: {  	s19 =	sor.u32 s4, s19  }
0x10: {  	s20 =	smul.u32 $0x5780, s19;
	_ =	sdelay $0x1  }
0x11: {  	s21 =	sshrl.u32 s20, $0x3  }
0x12: {  	s20 =	simm.s32 $0x0;
	s22 =	sadd.s32 s6, s21  }
0x13: {  	[tilespmem:s20], [sflag:$0x1] =	stream.linear.gather [hbm4b:s22+s20], $0x5780, $0x38;
	[tilespmem:$0xCB80] =	vst v63  }
0x14: {  	_ =	swait.ge [sflag:s12], $0x5780  }
0x15: {  	[sflag:s12] =	ssyncset.done $0x0  }
0x16: {  	s30 =	smul.u32 $0xC80, s19;
	s21 =	sadd.s32 s7, s21;
	[sflag:s12] =	ssyncadd.s32 $0xFFFFA880  }
0x17: {  	[tilespmem:s13], [sflag:$0x1] =	stream.linear.gather [hbm4b:s21+s20], $0x5780, $0x38;
	[tilespmem:$0xCB80] =	vst v63  }
0x18: {  	_ =	swait.ge [sflag:s12], $0x5780  }
0x19: {  	s21 =	sshrl.u32 s30, $0x3;
	[sflag:s12] =	ssyncset.done $0x0  }
0x1a: {  	s31 =	sadd.s32 s1, s21;
	[sflag:s12] =	ssyncadd.s32 $0xFFFFA880  }
0x1b: {  	[tilespmem:s14], [sflag:$0x1] =	stream.linear.gather [hbm4b:s31+s20], $0xC80, $0x38;
	[tilespmem:$0xCB80] =	vst v63  }
0x1c: {  	_ =	swait.ge [sflag:s12], $0xC80  }
0x1d: {  	[sflag:s12] =	ssyncset.done $0x0  }
0x1e: {  	s22 =	simm.s32 $0x0;
	[sflag:s12] =	ssyncadd.s32 $0xFFFFF380  }
.LBB2_3:
0x1f: {  	s23 =	sshra.s32 s22, $0x2  }
0x20: {  	v6 =	vld [tilespmem:s23+$0x0]  }
0x21: {  	v7 =	vld [tilespmem:s23+$0x320]  }
0x22: {  	v8 =	vld [tilespmem:s23+$0x640]  }
0x23: {  	s24 =	sand.u32 $0x3F0, s20;
	v9 =	vld [tilespmem:s23+$0x960]  }
0x24: {  	v10 =	vld [tilespmem:s24+$0xC80]  }
0x25: {  	v60 =	vld [tilespmem:s24+$0x1900]  }
0x26: {  	v49 =	vld [tilespmem:s23+$0x2BC0];
	vm5 =	vgt.f32 v7, v6  }
0x27: {  	v50 =	vld [tilespmem:s23+$0x2EE0];
	v11 =	vsel vm5, v7, v6  }
0x28: {  	vm4 =	vgt.f32 v8, v11  }
0x29: {  	v12 =	vld [tilespmem:s23+$0xFA0];
	vm6 =	vlt.f32 v7, $-Inf;
	vm7 =	vgt.f32 v7, $-Inf;
	v13 =	vsel vm4, v8, v11  }
0x2a: {  	v59 =	vld [tilespmem:s23+$0x15E0];
	vm15 =	vlt.f32 v60, $-Inf;
	vm8 =	vgt.f32 v60, $-Inf;
	vm3 =	vgt.f32 v9, v13  }
0x2b: {  	v14 =	vld [tilespmem:s23+$0x12C0];
	vm6 =	vmor vm7, vm6;
	v57 =	vsel vm5, $0x3F800000, v1;
	v15 =	vsel vm3, v9, v13  }
0x2c: {  	vm8 =	vmor vm8, vm15;
	vm15 =	vgt.f32 v50, v49;
	vm2 =	vgt.f32 v10, v15  }
0x2d: {  	v63 =	vld [tilespmem:s23+$0x1C20];
	vm6 =	vmneg vm6;
	vm8 =	vmneg vm8;
	v16 =	vsel vm2, v10, v15  }
0x2e: {  	v20 =	vsel vm6, $0xFF800000, v7;
	vm6 =	vmor vm5, vm6;
	vm0 =	vgt.f32 v12, v16  }
0x2f: {  	v55 =	vsel vm6, $0x0, v0;
	vm6 =	vgt.f32 v60, v59;
	v17 =	vsel vm0, v12, v16  }
0x30: {  	v39 =	vsel vm8, $0xFF800000, v60;
	v21 =	vsel vm6, v60, v59;
	vm1 =	vgt.f32 v14, v17  }
0x31: {  	vm8 =	vmor vm6, vm8;
	v45 =	vsel vm6, $0x3F800000, v1;
	v18 =	vsel vm1, v14, v17  }
0x32: {  	vm13 =	vgt.f32 v63, v21;
	v43 =	vsel vm8, $0x0, v0;
	v19 =	vsub.f32 v6, v18  }
0x33: {  	v22 =	vsel vm13, v63, v21;
	v7 =	vsub.f32 v7, v18;
	v53 =	vsub.f32 v8, v18  }
0x34: {  	v6 =	vsel vm5, v6, v20;
	v54 =	vsub.f32 v9, v18;
	v56 =	vsub.f32 v10, v18  }
0x35: {  	v28 =	vld [tilespmem:s23+$0x1F40];
	v58 =	vsub.f32 v12, v18;
	vm9 =	vgt.f32 v8, v6;
	v19 =	vmul.f32 $1.442695020e+00, v19  }
0x36: {  	v62 =	vsub.f32 v14, v18;
	v7 =	vmul.f32 $1.442695020e+00, v7;
	v6 =	vsel vm9, v8, v6  }
0x37: {  	v6 =	vsel vm4, v11, v6;
	(erf) = vpow2.f32 v19;
	v19 =	vsel vm9, $0x40000000, v55  }
0x38: {  	vm10 =	vgt.f32 v9, v6;
	(erf) = vpow2.f32 v7;
	v7 =	vmul.f32 $1.442695020e+00, v53  }
0x39: {  	v11 =	vsel vm4, $0x40000000, v57;
	v19 =	vsel vm4, v57, v19;
	v6 =	vsel vm10, v9, v6  }
0x3a: {  	vm4 =	vgt.f32 v28, v22;
	(erf) = vpow2.f32 v7;
	v7 =	vmul.f32 $1.442695020e+00, v54  }
0x3b: {  	v6 =	vsel vm3, v13, v6;
	v61 =	vsel vm10, $0x40400000, v19;
	v13 =	vmul.f32 $1.442695020e+00, v62  }
0x3c: {  	vm11 =	vgt.f32 v10, v6;
	(erf) = vpow2.f32 v7;
	v7 =	vmul.f32 $1.442695020e+00, v56  }
0x3d: {  	v23 =	vsel vm4, v28, v22;
	v19 =	vsel vm13, $0x40000000, v45;
	v6 =	vsel vm11, v10, v6  }
0x3e: {  	v30 =	vld [tilespmem:s23+$0x2260];
	v6 =	vsel vm2, v15, v6;
	(erf) = vpow2.f32 v7;
	v7 =	vmul.f32 $1.442695020e+00, v58  }
0x3f: {  	vm10 =	vlt.f32 v50, $-Inf;
	v8 =	vsel vm3, v11, v61;
	vm12 =	vgt.f32 v12, v6  }
0x40: {  	v32 =	vld [tilespmem:s24+$0x2580];
	v52 =	vsel vm4, $0x40400000, v19;
	v6 =	vsel vm12, v12, v6;
	v26 =	vpop (erf);
	(erf) = vpow2.f32 v7  }
0x41: {  	v8 =	vsel vm11, $0x40800000, v8;
	vm11 =	vgt.f32 v50, $-Inf;
	v6 =	vsel vm0, v16, v6;
	v27 =	vpop (erf)  }
0x42: {  	v34 =	vld [tilespmem:s23+$0x28A0];
	v7 =	vsel vm3, $0x40400000, v11;
	(erf) = vpow2.f32 v13;
	v10 =	vadd.f32 v27, v26  }
0x43: {  	vm14 =	vgt.f32 v14, v6;
	vm3 =	vgt.f32 v30, v23;
	v8 =	vsel vm2, v7, v8;
	v29 =	vpop (erf)  }
0x44: {  	v7 =	vsel vm2, $0x40800000, v7;
	v35 =	vsel vm3, v30, v23;
	v10 =	vadd.f32 v10, v29  }
0x45: {  	v6 =	vsel vm14, v14, v6;
	v8 =	vsel vm12, $0x40A00000, v8;
	vm2 =	vgt.f32 v32, v35;
	v31 =	vpop (erf)  }
0x46: {  	v24 =	vsel vm0, $0x40A00000, v7;
	v36 =	vsel vm2, v32, v35;
	v10 =	vadd.f32 v10, v31  }
0x47: {  	v6 =	vsel vm1, v17, v6;
	v8 =	vsel vm0, v7, v8;
	vm0 =	vgt.f32 v34, v36;
	v33 =	vpop (erf)  }
0x48: {  	v54 =	vld [tilespmem:s24+$0x3200];
	v6 =	vsub.f32 v6, v18;
	v38 =	vsel vm0, v34, v36;
	v10 =	vadd.f32 v10, v33  }
0x49: {  	v8 =	vsel vm14, $0x40C00000, v8;
	v40 =	vsub.f32 v59, v38;
	v9 =	vsub.f32 v60, v38;
	v7 =	vpop (erf)  }
0x4a: {  	v6 =	vmul.f32 $1.442695020e+00, v6;
	v41 =	vsub.f32 v63, v38;
	v7 =	vadd.f32 v10, v7  }
0x4b: {  	v11 =	vsel vm1, v24, v8;
	v42 =	vsub.f32 v28, v38;
	v44 =	vsub.f32 v30, v38;
	v37 =	vpop (erf)  }
0x4c: {  	v46 =	vsub.f32 v32, v38;
	v60 =	vsel vm15, v50, v49;
	v7 =	vadd.f32 v7, v37  }
0x4d: {  	v48 =	vsub.f32 v34, v38;
	vm5 =	vgt.f32 v54, v60;
	v9 =	vmul.f32 $1.442695020e+00, v9  }
0x4e: {  	(erf) = vrcp.f32 v7;
	v7 =	vsel vm6, v59, v39;
	v39 =	vsel vm15, $0x3F800000, v1  }
0x4f: {  	(erf) = vpow2.f32 v6;
	vm9 =	vgt.f32 v63, v7;
	v6 =	vmul.f32 $1.442695020e+00, v40  }
0x50: {  	v56 =	vld [tilespmem:s23+$0x3520];
	v25 =	vsel vm5, v54, v60;
	v20 =	vsel vm5, $0x40000000, v39;
	v7 =	vsel vm9, v63, v7  }
0x51: {  	v10 =	vsel vm9, $0x40000000, v43;
	(erf) = vpow2.f32 v6;
	v6 =	vmul.f32 $1.442695020e+00, v41  }
0x52: {  	v7 =	vsel vm13, v21, v7;
	v47 =	vsel vm13, v45, v10;
	(erf) = vpow2.f32 v9  }
0x53: {  	vm12 =	vgt.f32 v28, v7;
	v9 =	vsel vm3, $0x40800000, v52;
	(erf) = vpow2.f32 v6  }
0x54: {  	v59 =	vld [tilespmem:s23+$0x3840];
	v6 =	vmul.f32 $1.442695020e+00, v42;
	v7 =	vsel vm12, v28, v7;
	v8 =	vsel vm12, $0x40400000, v47  }
0x55: {  	v15 =	vsel vm4, v22, v7;
	v8 =	vsel vm4, v19, v8;
	vm4 =	vgt.f32 v56, v25  }
0x56: {  	v62 =	vld [tilespmem:s23+$0x3B60];
	(erf) = vpow2.f32 v6;
	v6 =	vmul.f32 $1.442695020e+00, v44;
	vm13 =	vgt.f32 v30, v15  }
0x57: {  	v63 =	vsel vm2, $0x40A00000, v9;
	v33 =	vsel vm4, v56, v25;
	v13 =	vsel vm13, v30, v15  }
0x58: {  	v8 =	vsel vm13, $0x40800000, v8;
	v7 =	vpop (erf);
	(erf) = vpow2.f32 v6;
	v13 =	vsel vm3, v23, v13  }
0x59: {  	v8 =	vsel vm3, v52, v8;
	vm3 =	vgt.f32 v59, v33;
	vm14 =	vgt.f32 v32, v13  }
0x5a: {  	v6 =	vmul.f32 $1.442695020e+00, v46;
	v10 =	vpop (erf);
	v26 =	vsel vm3, v59, v33;
	v12 =	vsel vm14, v32, v13  }
0x5b: {  	v8 =	vsel vm14, $0x40A00000, v8;
	vm12 =	vgt.f32 v62, v26;
	v10 =	vmul.f32 v7, v10  }
0x5c: {  	v32 =	vld [tilespmem:s24+$0x3E80];
	v51 =	vpop (erf);
	(erf) = vpow2.f32 v6;
	v6 =	vmul.f32 $1.442695020e+00, v48;
	v12 =	vsel vm2, v35, v12  }
0x5d: {  	v8 =	vsel vm2, v9, v8;
	v35 =	vsel vm12, v62, v26;
	v53 =	vpop (erf);
	vm9 =	vgt.f32 v34, v12  }
0x5e: {  	v15 =	vadd.f32 v53, v51;
	(erf) = vpow2.f32 v6;
	v6 =	vsel vm1, $0x40C00000, v24  }
0x5f: {  	v55 =	vpop (erf);
	v12 =	vsel vm9, v34, v12;
	v8 =	vsel vm9, $0x40C00000, v8;
	vm1 =	vmor vm11, vm10  }
0x60: {  	v30 =	vsel vm0, v36, v12;
	vm1 =	vmneg vm1;
	v57 =	vadd.f32 v15, v55  }
0x61: {  	v36 =	vsel vm1, $0xFF800000, v50;
	vm13 =	vmor vm15, vm1;
	vm1 =	vgt.f32 v32, v35  }
0x62: {  	v11 =	vsub.f32 v6, v11;
	v58 =	vpop (erf);
	v9 =	vsub.f32 v30, v38;
	v28 =	vsel vm1, v32, v35  }
0x63: {  	v27 =	vsel vm13, $0x0, v0;
	v13 =	vadd.f32 v57, v58;
	v38 =	vsub.f32 v49, v28  }
0x64: {  	v53 =	vld [tilespmem:s23+$0x44C0];
	v37 =	vsel vm15, v49, v36;
	v21 =	vsub.f32 v50, v28;
	v43 =	vsub.f32 v54, v28  }
0x65: {  	v11 =	vand.u32 $0x7FFFFFFF, v11;
	v61 =	vpop (erf);
	v46 =	vsub.f32 v56, v28;
	v49 =	vsub.f32 v59, v28  }
0x66: {  	v9 =	vmul.f32 $1.442695020e+00, v9;
	v51 =	vsub.f32 v62, v28;
	v13 =	vadd.f32 v13, v61  }
0x67: {  	vm14 =	vgt.f32 v54, v37;
	v55 =	vsub.f32 v32, v28;
	v11 =	vadd.f32 $-1.000000000e+00, v11;
	v31 =	vpop (erf)  }
0x68: {  	v40 =	vsel vm14, v54, v37;
	v44 =	vsel vm14, $0x40000000, v27;
	v12 =	vadd.f32 v13, v31  }
0x69: {  	v52 =	vld [tilespmem:s23+$0x41A0];
	vm14 =	vlt.f32 v53, $-Inf;
	v41 =	vmul.f32 $1.442695020e+00, v38;
	v42 =	vmul.f32 $1.442695020e+00, v21;
	v34 =	vpop (erf)  }
0x6a: {  	v45 =	vmul.f32 $1.442695020e+00, v43;
	v48 =	vmul.f32 $1.442695020e+00, v46;
	v12 =	vadd.f32 v12, v34  }
0x6b: {  	v47 =	vsel vm5, v39, v44;
	v50 =	vmul.f32 $1.442695020e+00, v49;
	v10 =	vmul.f32 v10, v11  }
0x6c: {  	v19 =	vmul.f32 $1.442695020e+00, v51;
	v13 =	vsel vm0, v63, v8;
	(erf) = vrcp.f32 v12  }
0x6d: {  	v7 =	vadd.f32 v10, v7;
	(erf) = vpow2.f32 v9;
	v9 =	vsel vm5, v60, v40  }
0x6e: {  	vm5 =	vgt.f32 v53, v52;
	vm15 =	vgt.f32 v56, v9;
	(erf) = vpow2.f32 v41  }
0x6f: {  	(erf) = vpow2.f32 v42;
	v9 =	vsel vm15, v56, v9;
	v8 =	vsel vm15, $0x40400000, v47  }
0x70: {  	vm15 =	vgt.f32 v53, $-Inf;
	(erf) = vpow2.f32 v45;
	v9 =	vsel vm4, v25, v9  }
0x71: {  	v8 =	vsel vm4, v20, v8;
	v20 =	vsel vm4, $0x40400000, v20;
	vm9 =	vgt.f32 v59, v9  }
0x72: {  	(erf) = vpow2.f32 v48;
	v15 =	vsel vm9, v59, v9;
	v54 =	vsel vm9, $0x40800000, v8  }
0x73: {  	v8 =	vsel vm0, $0x40C00000, v63;
	v59 =	vmul.f32 $1.442695020e+00, v55;
	v63 =	vsel vm5, v53, v52  }
0x74: {  	vm0 =	vmor vm15, vm14;
	v15 =	vsel vm3, v33, v15;
	v12 =	vsel vm3, v20, v54  }
0x75: {  	v57 =	vld [tilespmem:s23+$0x47E0];
	v20 =	vsel vm3, $0x40800000, v20;
	vm0 =	vmneg vm0;
	v33 =	vsel vm5, $0x3F800000, v1  }
0x76: {  	v13 =	vsub.f32 v8, v13;
	vm10 =	vgt.f32 v62, v15;
	v31 =	vsel vm0, $0xFF800000, v53;
	v9 =	vpop (erf)  }
0x77: {  	vm0 =	vmor vm5, vm0;
	(erf) = vpow2.f32 v50;
	v15 =	vsel vm10, v62, v15;
	v14 =	vpop (erf)  }
0x78: {  	v60 =	vld [tilespmem:s24+$0x4B00];
	v12 =	vsel vm10, $0x40A00000, v12;
	v44 =	vsel vm0, $0x0, v0;
	v45 =	vsel vm5, v52, v31;
	v56 =	vpop (erf)  }
0x79: {  	v13 =	vand.u32 $0x7FFFFFFF, v13;
	v15 =	vsel vm12, v26, v15;
	v58 =	vpop (erf);
	(erf) = vpow2.f32 v19  }
0x7a: {  	v62 =	vld [tilespmem:s23+$0x4E20];
	v12 =	vsel vm12, v20, v12;
	v20 =	vsel vm12, $0x40A00000, v20;
	vm12 =	vgt.f32 v57, v63  }
0x7b: {  	v13 =	vadd.f32 $-1.000000000e+00, v13;
	v16 =	vadd.f32 v58, v56;
	v61 =	vpop (erf);
	(erf) = vpow2.f32 v59  }
0x7c: {  	v37 =	vld [tilespmem:s23+$0x5140];
	vm11 =	vgt.f32 v32, v15;
	v38 =	vsel vm12, v57, v63;
	v51 =	vsel vm12, $0x40000000, v33  }
0x7d: {  	v14 =	vmul.f32 v9, v14;
	vm13 =	vgt.f32 v60, v38;
	v16 =	vadd.f32 v16, v61  }
0x7e: {  	v41 =	vld [tilespmem:s23+$0x5460];
	v15 =	vsel vm11, v32, v15;
	v12 =	vsel vm11, $0x40C00000, v12;
	v29 =	vsel vm13, v60, v38;
	v36 =	vpop (erf)  }
0x7f: {  	vm11 =	vgt.f32 v57, v45;
	vm8 =	vgt.f32 v62, v29;
	v16 =	vadd.f32 v16, v36  }
0x80: {  	v15 =	vsel vm1, v35, v15;
	v40 =	vsel vm1, v20, v12;
	v30 =	vsel vm8, v62, v29;
	v39 =	vpop (erf)  }
0x81: {  	v12 =	vsel vm1, $0x40C00000, v20;
	vm9 =	vgt.f32 v37, v30;
	v16 =	vadd.f32 v16, v39  }
0x82: {  	v20 =	vsel vm11, $0x40000000, v44;
	v13 =	vmul.f32 v14, v13;
	v32 =	vsel vm9, v37, v30;
	v42 =	vpop (erf)  }
0x83: {  	v15 =	vsub.f32 v15, v28;
	vm10 =	vgt.f32 v41, v32;
	v16 =	vadd.f32 v16, v42  }
0x84: {  	v28 =	vsel vm11, v57, v45;
	v20 =	vsel vm12, v33, v20;
	v46 =	vsel vm10, v41, v32;
	v43 =	vpop (erf)  }
0x85: {  	v33 =	vtrunc.f32 v8;
	v21 =	vsub.f32 v52, v46;
	v16 =	vadd.f32 v16, v43  }
0x86: {  	v35 =	vsub.f32 v12, v40;
	v15 =	vmul.f32 $1.442695020e+00, v15;
	v22 =	vsub.f32 v53, v46  }
0x87: {  	v8 =	vadd.f32 $5.000000000e-01, v8;
	v47 =	vmul.f32 $1.442695020e+00, v21;
	(erf) = vrcp.f32 v16  }
0x88: {  	v50 =	vsub.f32 v57, v46;
	v49 =	vmul.f32 $1.442695020e+00, v22;
	(erf) = vpow2.f32 v15  }
0x89: {  	v48 =	vsel vm12, v63, v28;
	v63 =	vtrunc.f32 v6;
	(erf) = vpow2.f32 v47  }
0x8a: {  	v52 =	vsub.f32 v60, v46;
	v16 =	vmul.f32 $1.442695020e+00, v50;
	(erf) = vpow2.f32 v49  }
0x8b: {  	v18 =	vcvt.f32.s32 v33;
	v6 =	vadd.f32 $5.000000000e-01, v6;
	vm12 =	vgt.f32 v60, v48  }
0x8c: {  	v44 =	vld [tilespmem:s23+$0xB860];
	v54 =	vsub.f32 v62, v46;
	v53 =	vmul.f32 $1.442695020e+00, v52;
	(erf) = vpow2.f32 v16  }
0x8d: {  	v9 =	vadd.f32 v13, v9;
	v20 =	vsel vm12, $0x40400000, v20;
	v36 =	vmul.u32 $0x320, v18;
	v42 =	vld [tilespmem:s23+$0xB220]  }
0x8e: {  	v56 =	vsub.f32 v37, v46;
	v55 =	vmul.f32 $1.442695020e+00, v54;
	(erf) = vpow2.f32 v53  }
0x8f: {  	v20 =	vsel vm13, v51, v20;
	v61 =	vsub.f32 v41, v46;
	v22 =	vsel vm13, $0x40400000, v51  }
0x90: {  	v59 =	vmul.f32 $1.442695020e+00, v56;
	v15 =	vsel vm12, v60, v48;
	v57 =	vpop (erf);
	(erf) = vpow2.f32 v55  }
0x91: {  	v39 =	vld [tilespmem:s23+$0xB540];
	v11 =	vmul.f32 $1.442695020e+00, v61;
	v43 =	vtrunc.f32 v12;
	v15 =	vsel vm13, v38, v15;
	v58 =	vpop (erf)  }
0x92: {  	v48 =	vsub.f32 v44, v42;
	v38 =	vld [tilespmem:s23+$0xAF00];
	vm13 =	vgt.f32 v62, v15;
	(erf) = vpow2.f32 v59;
	v60 =	vpop (erf)  }
0x93: {  	v15 =	vsel vm13, v62, v15;
	v20 =	vsel vm13, $0x40800000, v20;
	v16 =	vcvt.f32.s32 v63;
	v62 =	vpop (erf)  }
0x94: {  	v15 =	vsel vm8, v29, v15;
	(erf) = vpow2.f32 v11;
	v21 =	vadd.f32 v62, v60  }
0x95: {  	v20 =	vsel vm8, v22, v20;
	v22 =	vsel vm8, $0x40800000, v22;
	vm14 =	vgt.f32 v37, v15;
	v24 =	vpop (erf)  }
0x96: {  	v25 =	vmul.u32 $0x320, v16;
	v16 =	vadd.s32 s20, v36;
	v28 =	vadd.f32 v21, v24  }
0x97: {  	v15 =	vsel vm14, v37, v15;
	v40 =	vadd.s32 v3, v16;
	v45 =	vsub.f32 v39, v38;
	v29 =	vpop (erf)  }
0x98: {  	v16 =	vadd.f32 v44, v42;
	v26 =	vsel vm9, v30, v15;
	v15 =	vadd.f32 v28, v29  }
0x99: {  	v30 =	vsel vm14, $0x40A00000, v20;
	v20 =	vand.u32 $0x7FFFFFFF, v35;
	vm15 =	vgt.f32 v41, v26;
	v34 =	vpop (erf)  }
0x9a: {  	v20 =	vadd.f32 $-1.000000000e+00, v20;
	v17 =	vsel vm9, v22, v30;
	v15 =	vadd.f32 v15, v34  }
0x9b: {  	v22 =	vsel vm9, $0x40A00000, v22;
	v10 =	vsel vm15, v41, v26;
	v19 =	vmul.f32 v57, v58;
	v37 =	vpop (erf)  }
0x9c: {  	v16 =	vmul.f32 $5.000000000e-01, v16;
	v10 =	vsel vm10, v32, v10;
	v15 =	vadd.f32 v15, v37  }
0x9d: {  	v10 =	vsub.f32 v10, v46;
	v19 =	vmul.f32 v19, v20;
	v20 =	vcvt.f32.s32 v43;
	v41 =	vpop (erf)  }
0x9e: {  	v46 =	vsel vm10, $0x40C00000, v22;
	v21 =	vmul.f32 $1.700000050e+00, v48;
	v15 =	vadd.f32 v15, v41  }
0x9f: {  	v47 =	vtrunc.f32 v46;
	v10 =	vmul.f32 $1.442695020e+00, v10;
	v20 =	vmul.u32 $0x320, v20  }
0xa0: {  	v18 =	vadd.f32 v39, v38;
	v50 =	vmul.f32 $5.000000000e-01, v21;
	(erf) = vrcp.f32 v15  }
0xa1: {  	v20 =	vadd.s32 s20, v20;
	(erf) = vpow2.f32 v10;
	v10 =	vcvt.f32.s32 v47  }
0xa2: {  	v11 =	vadd.s32 s20, v25;
	v20 =	vadd.s32 v4, v20;
	v15 =	vmul.f32 $1.700000050e+00, v45  }
0xa3: {  	v53 =	vsub.f32 v16, v50;
	v16 =	vadd.f32 v50, v16;
	v10 =	vmul.u32 $0x320, v10  }
0xa4: {  	v18 =	vmul.f32 $5.000000000e-01, v18;
	v11 =	vadd.s32 v2, v11;
	v15 =	vmul.f32 $5.000000000e-01, v15  }
0xa5: {  	v17 =	vsel vm15, $0x40C00000, v17;
	v55 =	vsub.f32 v16, v53;
	v10 =	vadd.s32 s20, v10  }
0xa6: {  	v49 =	vsub.f32 v18, v15;
	v15 =	vadd.f32 v15, v18;
	v10 =	vadd.s32 v5, v10  }
0xa7: {  	v12 =	vadd.f32 $5.000000000e-01, v12;
	v17 =	vsel vm10, v22, v17;
	v56 =	vadd.f32 v19, v57;
	v57 =	vld.idx.msk [tilespmem:v20+s13+$0x0], $0xffff  }
0xa8: {  	v17 =	vsub.f32 v46, v17;
	v58 =	vmul.f32 $7.142857460e-02, v55;
	v51 =	vsub.f32 v15, v49  }
0xa9: {  	v7 =	vadd.f32 v9, v7;
	v59 =	vadd.f32 $5.000000000e-01, v46;
	v11 =	vld.idx.msk [tilespmem:v11+s13+$0x0], $0xffff;
	v52 =	vpop (erf)  }
0xaa: {  	v14 =	vld.idx.msk [tilespmem:v40+s13+$0x0], $0xffff;
	v17 =	vand.u32 $0x7FFFFFFF, v17;
	v12 =	vmul.f32 v58, v12;
	v21 =	vmul.f32 $7.142857460e-02, v51;
	v54 =	vpop (erf)  }
0xab: {  	v17 =	vadd.f32 $-1.000000000e+00, v17;
	v62 =	vmul.f32 v58, v59;
	v18 =	vmul.f32 v52, v54;
	v10 =	vld.idx.msk [tilespmem:v10+s13+$0x0], $0xffff  }
0xac: {  	v60 =	vadd.f32 v12, v53;
	v61 =	vmul.f32 v58, v57;
	v6 =	vmul.f32 v21, v6  }
0xad: {  	v7 =	vadd.f32 v56, v7;
	v8 =	vmul.f32 v21, v8;
	v17 =	vmul.f32 v18, v17  }
0xae: {  	v9 =	vsub.f32 v60, v61;
	v11 =	vmul.f32 v21, v11;
	v6 =	vadd.f32 v6, v49  }
0xaf: {  	v14 =	vmul.f32 v21, v14;
	v8 =	vsub.f32 v15, v8;
	v17 =	vadd.f32 v17, v52  }
0xb0: {  	p0 =	sne.s32 s22, $0xC40;
	v63 =	vsub.f32 v16, v62;
	v6 =	vsub.f32 v6, v11;
	v10 =	vmul.f32 v58, v10  }
.Ltmp0:
0xb1: {  	[tilespmem:s23+$0xBEA0] =	vst v9;
	v8 =	vsub.f32 v8, v14;
	v7 =	vadd.f32 v17, v7;
	(pc) =	sbr.rel @p0 .LBB2_3-.Ltmp0, $4  }
0xb2: {  	[tilespmem:s23+$0xBB80] =	vst v6;
	v6 =	vsub.f32 v63, v10  }
0xb3: {  	[tilespmem:s23+$0xC1C0] =	vst v8;
	v7 =	vmul.f32 $2.500000000e-01, v7  }
0xb4: {  	[tilespmem:s23+$0xC4E0] =	vst v6  }
0xb5: {  	s22 =	sadd.s32 $0x40, s22;
	s20 =	sadd.s32 $0x10, s20;
	[tilespmem:s23+$0xC800] =	vst v7  }
0xb6: {  	s20 =	sadd.s32 s8, s21;
	s19 =	smul.u32 $0x320, s19  }
0xb7: {  	[hbm4b:s20+s3] =	stream.linear.scatter [tilespmem:s15], [sflag:$0x1], $0xC80, $0x38;
	[tilespmem:$0xCB80] =	vst v63  }
0xb8: {  	s18 =	sadd.s32 $0x1, s18;
	_ =	swait.ge [sflag:s12], $0xC80  }
0xb9: {  	p0 =	sne.s32 s18, s9;
	s19 =	sshrl.u32 s19, $0x3;
	[sflag:s12] =	ssyncset.done $0x0  }
.Ltmp1:
0xba: {  	s19 =	sadd.s32 s2, s19;
	[sflag:s12] =	ssyncadd.s32 $0xFFFFF380;
	(pc) =	sbr.rel @p0 .LBB2_2-.Ltmp1, $4  }
0xbb: {  	[hbm4b:s19+s3] =	stream.linear.scatter [tilespmem:s16], [sflag:$0x1], $0x320, $0x38;
	[tilespmem:$0xCB80] =	vst v63  }
0xbc: {  	_ =	swait.ge [sflag:s12], $0x320  }
0xbd: {  	[sflag:s12] =	ssyncset.done $0x0  }
0xbe: {  	[sflag:s12] =	ssyncadd.s32 $0xFFFFFCE0  }
0xbf: {  	s17 =	sadd.s32 $0x1, s17  }
0xc0: {  	p0 =	sne.s32 s17, s11  }
.Ltmp2:
0xc1: {  	_ = 	snop;
	(pc) =	sbr.rel @p0 .LBB2_1-.Ltmp2, $1  }
0xc2: {  	_ =	sdelay $0x3  }
0xc3: {  	_ =	sfence.sel $0x180000  }
0xc4: {  	[bflag:$0x0] =	sbarrier.arrive $0xFFFF  }
0xc5: {  	p0 =	sne.s32 s5, $0x0;
	_ =	strace $0x90000047  }
0xc6: {  	s0 =	sadd.s32 @!p0 $0x100000, s0;
	[bflag:$0x2] =	sbarrier.arrive $0xFFFF  }
0xc7: {  	[sflag:s0] =	ssyncadd.tile.s32 @!p0 $0x1;
	_ =	shalt  }
.Lfunc_end2:
_tile_overlayer_lowered:
.L_overlay_start_2:
0xc8: {  	(tag) =	ssettag $0x2  }
0xc9: {  	s0 =	rddreg [dreg:$0x0];
	s2 =	stileid.u32  }
0xca: {  	s1 =	rddreg [dreg:$0x1];
	p0 =	sne.s32 s2, $0x0  }
0xcb: {  	s3 =	rddreg [dreg:$0x2];
	[bflag:$0x3] =	sbarrier.arrive $0xFFFF;
	s2 =	simm.s32 @!p0 $0x1C01  }
0xcc: {  	[timem:s3], [sflag:s2] =	dma.local @!p0 [hbm:s0], s1  }
0xcd: {  	s0 =	simm.s32 @!p0 $0x1  }
0xce: {  	_ =	swait.ge @!p0 [sflag:s0], s1  }
0xcf: {  	s1 =	ssub.s32 @!p0 $0x0, s1;
	[sflag:s0] =	ssyncset.done @!p0 $0x0  }
0xd0: {  	[sflag:s0] =	ssyncadd.s32 @!p0 s1  }
0xd1: {  	[bflag:$0x3] =	sbarrier.arrive $0xFFFF  }
0xd2: {  	_ =	shalt  }

</sc_bundles>
